<compile_context>
chip_gen: v7x
topology: tpu7x:2x2x1
jax: 0.10.2.dev20260603
libtpu: 0.0.44.dev20260713+nightly
codegen_flags: <defaults>
</compile_context>

<pallas_src>
import functools

import jax
import jax.numpy as jnp
from jax import lax
from jax.experimental import pallas as pl
from jax.experimental.pallas import tpu as pltpu
from jax.experimental.pallas import tpu_sc as plsc

N = 10000
E = 320000
H = 128
R = 4

NC = 2
NS = 16
NW = NC * NS
CH = 128
EPW = ((E + NW * CH - 1) // (NW * CH)) * CH
EP = EPW * NW
PROWS = EP // 128
RB = 1000
NPAD = 10240
RPT = NPAD // NS


def _ymm_body(x_ref, w_ref, y_ref):
    y_ref[0] = jnp.dot(x_ref[...], w_ref[0], preferred_element_type=jnp.float32)


def _prep_body(relp_ref, src_ref, w_ref, gidx_ref, wm_ref):
    r0 = lax.broadcasted_iota(jnp.int32, (PROWS, 128), 0)
    c0 = lax.broadcasted_iota(jnp.int32, (PROWS, 128), 1)
    i = r0 * 128 + c0
    p0, p1, p2, p3, p4 = (relp_ref[k] for k in range(5))
    rel = ((i >= p1).astype(jnp.int32) + (i >= p2).astype(jnp.int32)
           + (i >= p3).astype(jnp.int32))
    valid = (i >= p0) & (i < p4)
    gidx_ref[...] = src_ref[...] + N * rel
    wm_ref[...] = w_ref[...] * valid.astype(jnp.float32)


def _comb_body(relp_ref, x_ref, ws_ref, bs_ref, p_ref, o_ref):
    act = [jnp.where(relp_ref[r + 1] > relp_ref[r], 1.0, 0.0).astype(jnp.float32)
           for r in range(R)]
    w_sum = (act[0] * ws_ref[0] + act[1] * ws_ref[1]
             + act[2] * ws_ref[2] + act[3] * ws_ref[3])
    b_sum = (act[0] * bs_ref[0] + act[1] * bs_ref[1]
             + act[2] * bs_ref[2] + act[3] * bs_ref[3])
    o_ref[...] = (jnp.dot(x_ref[...], w_sum, preferred_element_type=jnp.float32)
                  + b_sum[None, :] + p_ref[0] + p_ref[1])


def _sc_scatter(y_hbm, gidx_hbm, dst_hbm, w_hbm, z_hbm, out_hbm,
                acc, idx_v, dst_v, w_v, rows_v, sem):
    cid = lax.axis_index("c")
    sid = lax.axis_index("s")
    wid = sid * NC + cid
    pltpu.sync_copy(z_hbm, acc.at[pl.ds(sid * RPT, RPT)])
    plsc.subcore_barrier()

    ebase = wid * EPW
    dnums = lax.GatherDimensionNumbers(
        offset_dims=(), collapsed_slice_dims=(0,), start_index_map=(0,))

    def group(g, _):
        wvec = w_v[pl.ds(g * 16, 16)]
        for j in range(16):
            wk = lax.gather(wvec, jnp.full((16, 1), j, jnp.int32), dnums, (1,),
                            mode=lax.GatherScatterMode.PROMISE_IN_BOUNDS)
            k = g * 16 + j
            for jj in range(H // 16):
                sl = pl.ds(jj * 16, 16)
                rows_v[k, sl] = rows_v[k, sl] * wk
        return 0

    def chunk(c, _):
        b = pl.multiple_of(ebase + c * CH, CH)
        pltpu.sync_copy(gidx_hbm.at[pl.ds(b, CH)], idx_v)
        pltpu.sync_copy(dst_hbm.at[pl.ds(b, CH)], dst_v)
        pltpu.sync_copy(w_hbm.at[pl.ds(b, CH)], w_v)
        pltpu.async_copy(y_hbm.at[idx_v], rows_v, sem).wait()
        lax.fori_loop(0, CH // 16, group, 0)
        pltpu.sync_copy(rows_v, acc.at[dst_v], add=True)
        return 0

    lax.fori_loop(0, EPW // CH, chunk, 0)
    plsc.subcore_barrier()
    pltpu.sync_copy(acc.at[pl.ds(sid * RPT, RPT)],
                    out_hbm.at[cid, pl.ds(sid * RPT, RPT)])


def kernel(x, edge_index, edge_weight, rel_ptr, W_self, b_self, W_nei):
    x = x.astype(jnp.float32)
    src = edge_index[0].astype(jnp.int32)
    dst = edge_index[1].astype(jnp.int32)
    w = edge_weight.astype(jnp.float32)
    relp = rel_ptr.astype(jnp.int32)

    pad = EP - E
    src2 = jnp.pad(src, (0, pad)).reshape(PROWS, 128)
    w2 = jnp.pad(w, (0, pad)).reshape(PROWS, 128)
    dst_p = jnp.pad(dst, (0, pad))

    y = pl.pallas_call(
        _ymm_body,
        grid=(R, N // RB),
        in_specs=[
            pl.BlockSpec((RB, H), lambda r, i: (i, 0)),
            pl.BlockSpec((1, H, H), lambda r, i: (r, 0, 0)),
        ],
        out_specs=pl.BlockSpec((1, RB, H), lambda r, i: (r, i, 0)),
        out_shape=jax.ShapeDtypeStruct((R, N, H), jnp.float32),
    )(x, W_nei.astype(jnp.float32))
    y_flat = y.reshape(R * N, H)

    gidx2, wm2 = pl.pallas_call(
        _prep_body,
        in_specs=[
            pl.BlockSpec(memory_space=pltpu.SMEM),
            pl.BlockSpec((PROWS, 128), lambda: (0, 0)),
            pl.BlockSpec((PROWS, 128), lambda: (0, 0)),
        ],
        out_specs=[
            pl.BlockSpec((PROWS, 128), lambda: (0, 0)),
            pl.BlockSpec((PROWS, 128), lambda: (0, 0)),
        ],
        out_shape=[
            jax.ShapeDtypeStruct((PROWS, 128), jnp.int32),
            jax.ShapeDtypeStruct((PROWS, 128), jnp.float32),
        ],
    )(relp, src2, w2)
    gidx = gidx2.reshape(EP)
    wm = wm2.reshape(EP)
    dst3 = dst_p

    zrows = jnp.zeros((RPT, H), jnp.float32)
    mesh = plsc.VectorSubcoreMesh(core_axis_name="c", subcore_axis_name="s",
                                  num_cores=NC, num_subcores=NS)
    part = functools.partial(
        pl.kernel,
        out_type=jax.ShapeDtypeStruct((NC, NPAD, H), jnp.float32),
        mesh=mesh,
        scratch_types=[
            pltpu.VMEM_SHARED((NPAD, H), jnp.float32),
            pltpu.VMEM((CH,), jnp.int32),
            pltpu.VMEM((CH,), jnp.int32),
            pltpu.VMEM((CH,), jnp.float32),
            pltpu.VMEM((CH, H), jnp.float32),
            pltpu.SemaphoreType.DMA,
        ],
    )(_sc_scatter)(y_flat, gidx, dst3, wm, zrows)

    out = pl.pallas_call(
        _comb_body,
        grid=(N // RB,),
        in_specs=[
            pl.BlockSpec(memory_space=pltpu.SMEM),
            pl.BlockSpec((RB, H), lambda i: (i, 0)),
            pl.BlockSpec((R, H, H), lambda i: (0, 0, 0)),
            pl.BlockSpec((R, H), lambda i: (0, 0)),
            pl.BlockSpec((NC, RB, H), lambda i: (0, i, 0)),
        ],
        out_specs=pl.BlockSpec((RB, H), lambda i: (i, 0)),
        out_shape=jax.ShapeDtypeStruct((N, H), jnp.float32),
    )(relp, x, W_self.astype(jnp.float32), b_self.astype(jnp.float32), part)
    return out

# --- scband reference (transcript-rebuilt; emitter-appended) ---
"""Pipeline reference for scband-dictless-hetero-layer-7292854469248 (READ-ONLY COPY).

The authoritative reference and input builder live on the scoring server;
editing this copy changes nothing except your own understanding.
"""

import jax, jax.numpy as jnp
import numpy as np

N_NODES = 10000
N_EDGES = 320000
HIDDEN = 128
NUM_REL = 4


def setup_inputs(seed: int = 0) -> dict:
    key = jax.random.key(seed)
    ks = jax.random.split(key, 8)
    x = jax.random.normal(ks[0], (N_NODES, HIDDEN), dtype=jnp.float32)
    edge_index = jax.random.randint(ks[1], (2, N_EDGES), 0, N_NODES, dtype=jnp.int64)
    edge_weight = jax.random.uniform(ks[2], (N_EDGES,), dtype=jnp.float32)
    rel_ptr = jnp.sort(jax.random.randint(ks[3], (5,), 0, N_EDGES, dtype=jnp.int64))
    # learned params: per-relation self/neighbor linear layers
    # stored as (in_dim, out_dim) so forward is x @ W (same math as torch Linear)
    scale = 1.0 / np.sqrt(HIDDEN)
    W_self = jax.random.uniform(ks[4], (NUM_REL, HIDDEN, HIDDEN), dtype=jnp.float32, minval=-scale, maxval=scale)
    b_self = jax.random.uniform(ks[5], (NUM_REL, HIDDEN), dtype=jnp.float32, minval=-scale, maxval=scale)
    W_nei = jax.random.uniform(ks[6], (NUM_REL, HIDDEN, HIDDEN), dtype=jnp.float32, minval=-scale, maxval=scale)
    return {"x": x, "edge_index": edge_index, "edge_weight": edge_weight, "rel_ptr": rel_ptr,
            "W_self": W_self, "b_self": b_self, "W_nei": W_nei}


def reference(x, edge_index, edge_weight, rel_ptr, W_self, b_self, W_nei):
    # rel_ptr values are slicing metadata; consume them as traced arrays via masks
    edge_pos = jnp.arange(N_EDGES, dtype=rel_ptr.dtype)
    src_all = edge_index[0]
    dst_all = edge_index[1]
    out = jnp.zeros_like(x)
    for r in range(NUM_REL):
        b = rel_ptr[r]
        e = rel_ptr[r + 1]
        mask = (edge_pos >= b) & (edge_pos < e)
        # route masked-out edges to an out-of-bounds index so scatter drops them,
        # leaving exactly the original in-range updates in the original order
        dst = jnp.where(mask, dst_all, N_NODES)
        h_self = x @ W_self[r] + b_self[r]
        msg = jnp.take(x @ W_nei[r], src_all, axis=0)
        msg = msg * edge_weight[:, None]
        agg = jnp.zeros_like(h_self).at[dst].add(msg)
        contrib = agg + h_self
        out = out + jnp.where(e > b, contrib, jnp.zeros_like(contrib))
    return out

if __name__ == "__main__":
    import jax
    _d = setup_inputs()
    print(jax.jit(kernel)(*tuple(_d.values())))

</pallas_src>

<mosaic_0001>
#map = affine_map<(d0, d1) -> (0, 0)>
#map1 = affine_map<(d0, d1) -> (0)>
#map2 = affine_map<(d0, d1) -> (0, 0, 0)>
module attributes {stable_mosaic.version = 14 : i64} {
  func.func @_sc_scatter(%arg0: i32, %arg1: i32, %arg2: memref<40000x128xf32, #tpu.memory_space<hbm>>, %arg3: memref<323584xi32, #tpu.memory_space<hbm>>, %arg4: memref<323584xi32, #tpu.memory_space<hbm>>, %arg5: memref<323584xf32, #tpu.memory_space<hbm>>, %arg6: memref<640x128xf32, #tpu.memory_space<hbm>>, %arg7: memref<2x10240x128xf32, #tpu.memory_space<hbm>>, %arg8: memref<10240x128xf32, #tpu.memory_space<vmem_shared>>, %arg9: memref<128xi32, #tpu.memory_space<vmem>>, %arg10: memref<128xi32, #tpu.memory_space<vmem>>, %arg11: memref<128xf32, #tpu.memory_space<vmem>>, %arg12: memref<128x128xf32, #tpu.memory_space<vmem>>, %arg13: memref<!tpu.dma_semaphore, #tpu.memory_space<semaphore_mem>>) attributes {dimension_semantics = [#tpu.dimension_semantics<core_parallel>, #tpu.dimension_semantics<subcore_parallel>], iteration_bounds = array<i64: 2, 16>, scalar_prefetch = 0 : i64, scratch_operands = 6 : i64, tpu.core_type = #tpu.core_type<sc_vector_subcore>, window_params = [{transform_indices = #map}, {transform_indices = #map1}, {transform_indices = #map1}, {transform_indices = #map1}, {transform_indices = #map}, {transform_indices = #map2}]} {
    %mul3A = arith.constant 2 : i32
    %mul3A_0 = arith.muli %arg1, %mul3A : i32
    %add3A = arith.addi %mul3A_0, %arg0 : i32
    %mul3A_1 = arith.constant 640 : i32
    %mul3A_2 = arith.muli %arg1, %mul3A_1 : i32
    "tpu.region"() ({
      %run_scoped3A = tpu.sem_alloc : memref<!tpu.dma_semaphore, #tpu.memory_space<semaphore_mem>>
      %dma_start3A = arith.constant 0 : i32
      %dma_start3A_16 = tpu.memref_slice %arg8[%mul3A_2, %dma_start3A] : memref<10240x128xf32, #tpu.memory_space<vmem_shared>> -> memref<640x128xf32, #tpu.memory_space<vmem_shared>>
      tpu.enqueue_dma source(%arg6 : memref<640x128xf32, #tpu.memory_space<hbm>>) target(%dma_start3A_16 : memref<640x128xf32, #tpu.memory_space<vmem_shared>>) target_semaphore(%run_scoped3A : memref<!tpu.dma_semaphore, #tpu.memory_space<semaphore_mem>>)
      %dma_wait3A = arith.constant 0 : i32
      %dma_wait3A_17 = tpu.memref_slice %arg8[%mul3A_2, %dma_wait3A] : memref<10240x128xf32, #tpu.memory_space<vmem_shared>> -> memref<640x128xf32, #tpu.memory_space<vmem_shared>>
      tpu.wait_dma2 semaphore(%run_scoped3A : memref<!tpu.dma_semaphore, #tpu.memory_space<semaphore_mem>>) src(%arg6 : memref<640x128xf32, #tpu.memory_space<hbm>>) dst(%dma_wait3A_17 : memref<640x128xf32, #tpu.memory_space<vmem_shared>>)
      tpu.yield
    }) : () -> ()
    %barrier3A = arith.constant 0 : index
    tpu.barrier barrier_id(%barrier3A)
    %mul3A_3 = arith.constant 10112 : i32
    %mul3A_4 = arith.muli %add3A, %mul3A_3 : i32
    %scan3A = arith.constant 0 : i32
    %scan3A_5 = arith.constant 0 : i32
    %scan3A_6 = arith.constant 79 : i32
    %scan3A_7 = arith.addi %scan3A_5, %scan3A_6 : i32
    %scan3A_8 = arith.constant 1 : i32
    %scan3A_9 = scf.for %scan3A_16 = %scan3A_5 to %scan3A_7 step %scan3A_8 iter_args(%scan3A_17 = %scan3A) -> (i32)  : i32 {
      %mul3A_18 = arith.constant 128 : i32
      %mul3A_19 = arith.muli %scan3A_16, %mul3A_18 : i32
      %add3A_20 = arith.addi %mul3A_4, %mul3A_19 : i32
      %multiple_of3A = tpu.assume_multiple %add3A_20, 128 : i32
      "tpu.region"() ({
        %run_scoped3A = tpu.sem_alloc : memref<!tpu.dma_semaphore, #tpu.memory_space<semaphore_mem>>
        %dma_start3A_33 = tpu.memref_slice %arg3[%multiple_of3A] : memref<323584xi32, #tpu.memory_space<hbm>> -> memref<128xi32, #tpu.memory_space<hbm>>
        %dma_start3A_34 = tpu.memref_slice %arg3[%multiple_of3A] : memref<323584xi32, #tpu.memory_space<hbm>> -> memref<128xi32, #tpu.memory_space<hbm>>
        tpu.enqueue_dma source(%dma_start3A_34 : memref<128xi32, #tpu.memory_space<hbm>>) target(%arg9 : memref<128xi32, #tpu.memory_space<vmem>>) target_semaphore(%run_scoped3A : memref<!tpu.dma_semaphore, #tpu.memory_space<semaphore_mem>>)
        %dma_wait3A_35 = tpu.memref_slice %arg3[%multiple_of3A] : memref<323584xi32, #tpu.memory_space<hbm>> -> memref<128xi32, #tpu.memory_space<hbm>>
        %dma_wait3A_36 = tpu.memref_slice %arg3[%multiple_of3A] : memref<323584xi32, #tpu.memory_space<hbm>> -> memref<128xi32, #tpu.memory_space<hbm>>
        tpu.wait_dma2 semaphore(%run_scoped3A : memref<!tpu.dma_semaphore, #tpu.memory_space<semaphore_mem>>) src(%dma_wait3A_36 : memref<128xi32, #tpu.memory_space<hbm>>) dst(%arg9 : memref<128xi32, #tpu.memory_space<vmem>>)
        tpu.yield
      }) : () -> ()
      "tpu.region"() ({
        %run_scoped3A = tpu.sem_alloc : memref<!tpu.dma_semaphore, #tpu.memory_space<semaphore_mem>>
        %dma_start3A_33 = tpu.memref_slice %arg4[%multiple_of3A] : memref<323584xi32, #tpu.memory_space<hbm>> -> memref<128xi32, #tpu.memory_space<hbm>>
        %dma_start3A_34 = tpu.memref_slice %arg4[%multiple_of3A] : memref<323584xi32, #tpu.memory_space<hbm>> -> memref<128xi32, #tpu.memory_space<hbm>>
        tpu.enqueue_dma source(%dma_start3A_34 : memref<128xi32, #tpu.memory_space<hbm>>) target(%arg10 : memref<128xi32, #tpu.memory_space<vmem>>) target_semaphore(%run_scoped3A : memref<!tpu.dma_semaphore, #tpu.memory_space<semaphore_mem>>)
        %dma_wait3A_35 = tpu.memref_slice %arg4[%multiple_of3A] : memref<323584xi32, #tpu.memory_space<hbm>> -> memref<128xi32, #tpu.memory_space<hbm>>
        %dma_wait3A_36 = tpu.memref_slice %arg4[%multiple_of3A] : memref<323584xi32, #tpu.memory_space<hbm>> -> memref<128xi32, #tpu.memory_space<hbm>>
        tpu.wait_dma2 semaphore(%run_scoped3A : memref<!tpu.dma_semaphore, #tpu.memory_space<semaphore_mem>>) src(%dma_wait3A_36 : memref<128xi32, #tpu.memory_space<hbm>>) dst(%arg10 : memref<128xi32, #tpu.memory_space<vmem>>)
        tpu.yield
      }) : () -> ()
      "tpu.region"() ({
        %run_scoped3A = tpu.sem_alloc : memref<!tpu.dma_semaphore, #tpu.memory_space<semaphore_mem>>
        %dma_start3A_33 = tpu.memref_slice %arg5[%multiple_of3A] : memref<323584xf32, #tpu.memory_space<hbm>> -> memref<128xf32, #tpu.memory_space<hbm>>
        %dma_start3A_34 = tpu.memref_slice %arg5[%multiple_of3A] : memref<323584xf32, #tpu.memory_space<hbm>> -> memref<128xf32, #tpu.memory_space<hbm>>
        tpu.enqueue_dma source(%dma_start3A_34 : memref<128xf32, #tpu.memory_space<hbm>>) target(%arg11 : memref<128xf32, #tpu.memory_space<vmem>>) target_semaphore(%run_scoped3A : memref<!tpu.dma_semaphore, #tpu.memory_space<semaphore_mem>>)
        %dma_wait3A_35 = tpu.memref_slice %arg5[%multiple_of3A] : memref<323584xf32, #tpu.memory_space<hbm>> -> memref<128xf32, #tpu.memory_space<hbm>>
        %dma_wait3A_36 = tpu.memref_slice %arg5[%multiple_of3A] : memref<323584xf32, #tpu.memory_space<hbm>> -> memref<128xf32, #tpu.memory_space<hbm>>
        tpu.wait_dma2 semaphore(%run_scoped3A : memref<!tpu.dma_semaphore, #tpu.memory_space<semaphore_mem>>) src(%dma_wait3A_36 : memref<128xf32, #tpu.memory_space<hbm>>) dst(%arg11 : memref<128xf32, #tpu.memory_space<vmem>>)
        tpu.yield
      }) : () -> ()
      %dma_start3A = arith.constant 0 : i32
      %dma_start3A_21 = arith.constant 0 : i32
      %dma_start3A_22 = tpu.memref_slice %arg2[%dma_start3A, %dma_start3A_21] : memref<40000x128xf32, #tpu.memory_space<hbm>> -> memref<40000x128xf32, #tpu.memory_space<hbm>>
      tpu.enqueue_indirect_dma source(%dma_start3A_22 : memref<40000x128xf32, #tpu.memory_space<hbm>>) target(%arg12 : memref<128x128xf32, #tpu.memory_space<vmem>>) offsets(%arg9 : memref<128xi32, #tpu.memory_space<vmem>>) semaphore(%arg13 : memref<!tpu.dma_semaphore, #tpu.memory_space<semaphore_mem>>)
      %dma_wait3A = arith.constant 0 : i32
      %dma_wait3A_23 = arith.constant 0 : i32
      %dma_wait3A_24 = tpu.memref_slice %arg2[%dma_wait3A, %dma_wait3A_23] : memref<40000x128xf32, #tpu.memory_space<hbm>> -> memref<40000x128xf32, #tpu.memory_space<hbm>>
      tpu.wait_indirect_dma semaphore(%arg13 : memref<!tpu.dma_semaphore, #tpu.memory_space<semaphore_mem>>) src(%dma_wait3A_24 : memref<40000x128xf32, #tpu.memory_space<hbm>>) dst(%arg12 : memref<128x128xf32, #tpu.memory_space<vmem>>)
      %scan3A_25 = arith.constant 0 : i32
      %scan3A_26 = arith.constant 0 : i32
      %scan3A_27 = arith.constant 8 : i32
      %scan3A_28 = arith.addi %scan3A_26, %scan3A_27 : i32
      %scan3A_29 = arith.constant 1 : i32
      %scan3A_30 = scf.for %scan3A_33 = %scan3A_26 to %scan3A_28 step %scan3A_29 iter_args(%scan3A_34 = %scan3A_25) -> (i32)  : i32 {
        %mul3A_35 = arith.constant 16 : i32
        %mul3A_36 = arith.muli %scan3A_33, %mul3A_35 : i32
        %get3A = arith.index_cast %mul3A_36 : i32 to index
        %get3A_37 = tpu.vector_load %arg11[%get3A] {strides = array<i32>} : memref<128xf32, #tpu.memory_space<vmem>>, vector<16xf32>,
        %get3A_38 = vector.shape_cast %get3A_37 : vector<16xf32> to vector<16xf32>
        %broadcast_in_dim3A = arith.constant 0 : i32
        %broadcast_in_dim3A_39 = vector.broadcast %broadcast_in_dim3A : i32 to vector<16x1xi32>
        %gather3A = vector.shape_cast %broadcast_in_dim3A_39 : vector<16x1xi32> to vector<16xi32>
        %gather3A_40 = tpu.dynamic_gather %get3A_38[%gather3A] in [0] : vector<16xf32>, vector<16xi32> -> vector<16xf32>
        %mul3A_41 = arith.constant 16 : i32
        %mul3A_42 = arith.muli %scan3A_33, %mul3A_41 : i32
        %add3A_43 = arith.constant 0 : i32
        %add3A_44 = arith.addi %mul3A_42, %add3A_43 : i32
        %get3A_45 = arith.index_cast %add3A_44 : i32 to index
        %get3A_46 = arith.constant 0 : index
        %get3A_47 = tpu.vector_load %arg12[%get3A_45, %get3A_46] {strides = array<i32>} : memref<128x128xf32, #tpu.memory_space<vmem>>, vector<1x16xf32>,
        %get3A_48 = vector.shape_cast %get3A_47 : vector<1x16xf32> to vector<16xf32>
        %mul3A_49 = arith.mulf %get3A_48, %gather3A_40 : vector<16xf32>
        %swap3A = arith.index_cast %add3A_44 : i32 to index
        %swap3A_50 = arith.constant 0 : index
        %swap3A_51 = tpu.vector_load %arg12[%swap3A, %swap3A_50] {strides = array<i32>} : memref<128x128xf32, #tpu.memory_space<vmem>>, vector<1x16xf32>,
        %swap3A_52 = vector.shape_cast %swap3A_51 : vector<1x16xf32> to vector<16xf32>
        %swap3A_53 = vector.shape_cast %mul3A_49 : vector<16xf32> to vector<1x16xf32>
        tpu.vector_store %arg12[%swap3A, %swap3A_50], %swap3A_53 {strides = array<i32>} : memref<128x128xf32, #tpu.memory_space<vmem>>, vector<1x16xf32>,
        %get3A_54 = arith.index_cast %add3A_44 : i32 to index
        %get3A_55 = arith.constant 16 : index
        %get3A_56 = tpu.vector_load %arg12[%get3A_54, %get3A_55] {strides = array<i32>} : memref<128x128xf32, #tpu.memory_space<vmem>>, vector<1x16xf32>,
        %get3A_57 = vector.shape_cast %get3A_56 : vector<1x16xf32> to vector<16xf32>
        %mul3A_58 = arith.mulf %get3A_57, %gather3A_40 : vector<16xf32>
        %swap3A_59 = arith.index_cast %add3A_44 : i32 to index
        %swap3A_60 = arith.constant 16 : index
        %swap3A_61 = tpu.vector_load %arg12[%swap3A_59, %swap3A_60] {strides = array<i32>} : memref<128x128xf32, #tpu.memory_space<vmem>>, vector<1x16xf32>,
        %swap3A_62 = vector.shape_cast %swap3A_61 : vector<1x16xf32> to vector<16xf32>
        %swap3A_63 = vector.shape_cast %mul3A_58 : vector<16xf32> to vector<1x16xf32>
        tpu.vector_store %arg12[%swap3A_59, %swap3A_60], %swap3A_63 {strides = array<i32>} : memref<128x128xf32, #tpu.memory_space<vmem>>, vector<1x16xf32>,
        %get3A_64 = arith.index_cast %add3A_44 : i32 to index
        %get3A_65 = arith.constant 32 : index
        %get3A_66 = tpu.vector_load %arg12[%get3A_64, %get3A_65] {strides = array<i32>} : memref<128x128xf32, #tpu.memory_space<vmem>>, vector<1x16xf32>,
        %get3A_67 = vector.shape_cast %get3A_66 : vector<1x16xf32> to vector<16xf32>
        %mul3A_68 = arith.mulf %get3A_67, %gather3A_40 : vector<16xf32>
        %swap3A_69 = arith.index_cast %add3A_44 : i32 to index
        %swap3A_70 = arith.constant 32 : index
        %swap3A_71 = tpu.vector_load %arg12[%swap3A_69, %swap3A_70] {strides = array<i32>} : memref<128x128xf32, #tpu.memory_space<vmem>>, vector<1x16xf32>,
        %swap3A_72 = vector.shape_cast %swap3A_71 : vector<1x16xf32> to vector<16xf32>
        %swap3A_73 = vector.shape_cast %mul3A_68 : vector<16xf32> to vector<1x16xf32>
        tpu.vector_store %arg12[%swap3A_69, %swap3A_70], %swap3A_73 {strides = array<i32>} : memref<128x128xf32, #tpu.memory_space<vmem>>, vector<1x16xf32>,
        %get3A_74 = arith.index_cast %add3A_44 : i32 to index
        %get3A_75 = arith.constant 48 : index
        %get3A_76 = tpu.vector_load %arg12[%get3A_74, %get3A_75] {strides = array<i32>} : memref<128x128xf32, #tpu.memory_space<vmem>>, vector<1x16xf32>,
        %get3A_77 = vector.shape_cast %get3A_76 : vector<1x16xf32> to vector<16xf32>
        %mul3A_78 = arith.mulf %get3A_77, %gather3A_40 : vector<16xf32>
        %swap3A_79 = arith.index_cast %add3A_44 : i32 to index
        %swap3A_80 = arith.constant 48 : index
        %swap3A_81 = tpu.vector_load %arg12[%swap3A_79, %swap3A_80] {strides = array<i32>} : memref<128x128xf32, #tpu.memory_space<vmem>>, vector<1x16xf32>,
        %swap3A_82 = vector.shape_cast %swap3A_81 : vector<1x16xf32> to vector<16xf32>
        %swap3A_83 = vector.shape_cast %mul3A_78 : vector<16xf32> to vector<1x16xf32>
        tpu.vector_store %arg12[%swap3A_79, %swap3A_80], %swap3A_83 {strides = array<i32>} : memref<128x128xf32, #tpu.memory_space<vmem>>, vector<1x16xf32>,
        %get3A_84 = arith.index_cast %add3A_44 : i32 to index
        %get3A_85 = arith.constant 64 : index
        %get3A_86 = tpu.vector_load %arg12[%get3A_84, %get3A_85] {strides = array<i32>} : memref<128x128xf32, #tpu.memory_space<vmem>>, vector<1x16xf32>,
        %get3A_87 = vector.shape_cast %get3A_86 : vector<1x16xf32> to vector<16xf32>
        %mul3A_88 = arith.mulf %get3A_87, %gather3A_40 : vector<16xf32>
        %swap3A_89 = arith.index_cast %add3A_44 : i32 to index
        %swap3A_90 = arith.constant 64 : index
        %swap3A_91 = tpu.vector_load %arg12[%swap3A_89, %swap3A_90] {strides = array<i32>} : memref<128x128xf32, #tpu.memory_space<vmem>>, vector<1x16xf32>,
        %swap3A_92 = vector.shape_cast %swap3A_91 : vector<1x16xf32> to vector<16xf32>
        %swap3A_93 = vector.shape_cast %mul3A_88 : vector<16xf32> to vector<1x16xf32>
        tpu.vector_store %arg12[%swap3A_89, %swap3A_90], %swap3A_93 {strides = array<i32>} : memref<128x128xf32, #tpu.memory_space<vmem>>, vector<1x16xf32>,
        %get3A_94 = arith.index_cast %add3A_44 : i32 to index
        %get3A_95 = arith.constant 80 : index
        %get3A_96 = tpu.vector_load %arg12[%get3A_94, %get3A_95] {strides = array<i32>} : memref<128x128xf32, #tpu.memory_space<vmem>>, vector<1x16xf32>,
        %get3A_97 = vector.shape_cast %get3A_96 : vector<1x16xf32> to vector<16xf32>
        %mul3A_98 = arith.mulf %get3A_97, %gather3A_40 : vector<16xf32>
        %swap3A_99 = arith.index_cast %add3A_44 : i32 to index
        %swap3A_100 = arith.constant 80 : index
        %swap3A_101 = tpu.vector_load %arg12[%swap3A_99, %swap3A_100] {strides = array<i32>} : memref<128x128xf32, #tpu.memory_space<vmem>>, vector<1x16xf32>,
        %swap3A_102 = vector.shape_cast %swap3A_101 : vector<1x16xf32> to vector<16xf32>
        %swap3A_103 = vector.shape_cast %mul3A_98 : vector<16xf32> to vector<1x16xf32>
        tpu.vector_store %arg12[%swap3A_99, %swap3A_100], %swap3A_103 {strides = array<i32>} : memref<128x128xf32, #tpu.memory_space<vmem>>, vector<1x16xf32>,
        %get3A_104 = arith.index_cast %add3A_44 : i32 to index
        %get3A_105 = arith.constant 96 : index
        %get3A_106 = tpu.vector_load %arg12[%get3A_104, %get3A_105] {strides = array<i32>} : memref<128x128xf32, #tpu.memory_space<vmem>>, vector<1x16xf32>,
        %get3A_107 = vector.shape_cast %get3A_106 : vector<1x16xf32> to vector<16xf32>
        %mul3A_108 = arith.mulf %get3A_107, %gather3A_40 : vector<16xf32>
        %swap3A_109 = arith.index_cast %add3A_44 : i32 to index
        %swap3A_110 = arith.constant 96 : index
        %swap3A_111 = tpu.vector_load %arg12[%swap3A_109, %swap3A_110] {strides = array<i32>} : memref<128x128xf32, #tpu.memory_space<vmem>>, vector<1x16xf32>,
        %swap3A_112 = vector.shape_cast %swap3A_111 : vector<1x16xf32> to vector<16xf32>
        %swap3A_113 = vector.shape_cast %mul3A_108 : vector<16xf32> to vector<1x16xf32>
        tpu.vector_store %arg12[%swap3A_109, %swap3A_110], %swap3A_113 {strides = array<i32>} : memref<128x128xf32, #tpu.memory_space<vmem>>, vector<1x16xf32>,
        %get3A_114 = arith.index_cast %add3A_44 : i32 to index
        %get3A_115 = arith.constant 112 : index
        %get3A_116 = tpu.vector_load %arg12[%get3A_114, %get3A_115] {strides = array<i32>} : memref<128x128xf32, #tpu.memory_space<vmem>>, vector<1x16xf32>,
        %get3A_117 = vector.shape_cast %get3A_116 : vector<1x16xf32> to vector<16xf32>
        %mul3A_118 = arith.mulf %get3A_117, %gather3A_40 : vector<16xf32>
        %swap3A_119 = arith.index_cast %add3A_44 : i32 to index
        %swap3A_120 = arith.constant 112 : index
        %swap3A_121 = tpu.vector_load %arg12[%swap3A_119, %swap3A_120] {strides = array<i32>} : memref<128x128xf32, #tpu.memory_space<vmem>>, vector<1x16xf32>,
        %swap3A_122 = vector.shape_cast %swap3A_121 : vector<1x16xf32> to vector<16xf32>
        %swap3A_123 = vector.shape_cast %mul3A_118 : vector<16xf32> to vector<1x16xf32>
        tpu.vector_store %arg12[%swap3A_119, %swap3A_120], %swap3A_123 {strides = array<i32>} : memref<128x128xf32, #tpu.memory_space<vmem>>, vector<1x16xf32>,
        %broadcast_in_dim3A_124 = arith.constant 1 : i32
        %broadcast_in_dim3A_125 = vector.broadcast %broadcast_in_dim3A_124 : i32 to vector<16x1xi32>
        %gather3A_126 = vector.shape_cast %broadcast_in_dim3A_125 : vector<16x1xi32> to vector<16xi32>
        %gather3A_127 = tpu.dynamic_gather %get3A_38[%gather3A_126] in [0] : vector<16xf32>, vector<16xi32> -> vector<16xf32>
        %mul3A_128 = arith.constant 16 : i32
        %mul3A_129 = arith.muli %scan3A_33, %mul3A_128 : i32
        %add3A_130 = arith.constant 1 : i32
        %add3A_131 = arith.addi %mul3A_129, %add3A_130 : i32
        %get3A_132 = arith.index_cast %add3A_131 : i32 to index
        %get3A_133 = arith.constant 0 : index
        %get3A_134 = tpu.vector_load %arg12[%get3A_132, %get3A_133] {strides = array<i32>} : memref<128x128xf32, #tpu.memory_space<vmem>>, vector<1x16xf32>,
        %get3A_135 = vector.shape_cast %get3A_134 : vector<1x16xf32> to vector<16xf32>
        %mul3A_136 = arith.mulf %get3A_135, %gather3A_127 : vector<16xf32>
        %swap3A_137 = arith.index_cast %add3A_131 : i32 to index
        %swap3A_138 = arith.constant 0 : index
        %swap3A_139 = tpu.vector_load %arg12[%swap3A_137, %swap3A_138] {strides = array<i32>} : memref<128x128xf32, #tpu.memory_space<vmem>>, vector<1x16xf32>,
        %swap3A_140 = vector.shape_cast %swap3A_139 : vector<1x16xf32> to vector<16xf32>
        %swap3A_141 = vector.shape_cast %mul3A_136 : vector<16xf32> to vector<1x16xf32>
        tpu.vector_store %arg12[%swap3A_137, %swap3A_138], %swap3A_141 {strides = array<i32>} : memref<128x128xf32, #tpu.memory_space<vmem>>, vector<1x16xf32>,
        %get3A_142 = arith.index_cast %add3A_131 : i32 to index
        %get3A_143 = arith.constant 16 : index
        %get3A_144 = tpu.vector_load %arg12[%get3A_142, %get3A_143] {strides = array<i32>} : memref<128x128xf32, #tpu.memory_space<vmem>>, vector<1x16xf32>,
        %get3A_145 = vector.shape_cast %get3A_144 : vector<1x16xf32> to vector<16xf32>
        %mul3A_146 = arith.mulf %get3A_145, %gather3A_127 : vector<16xf32>
        %swap3A_147 = arith.index_cast %add3A_131 : i32 to index
        %swap3A_148 = arith.constant 16 : index
        %swap3A_149 = tpu.vector_load %arg12[%swap3A_147, %swap3A_148] {strides = array<i32>} : memref<128x128xf32, #tpu.memory_space<vmem>>, vector<1x16xf32>,
        %swap3A_150 = vector.shape_cast %swap3A_149 : vector<1x16xf32> to vector<16xf32>
        %swap3A_151 = vector.shape_cast %mul3A_146 : vector<16xf32> to vector<1x16xf32>
        tpu.vector_store %arg12[%swap3A_147, %swap3A_148], %swap3A_151 {strides = array<i32>} : memref<128x128xf32, #tpu.memory_space<vmem>>, vector<1x16xf32>,
        %get3A_152 = arith.index_cast %add3A_131 : i32 to index
        %get3A_153 = arith.constant 32 : index
        %get3A_154 = tpu.vector_load %arg12[%get3A_152, %get3A_153] {strides = array<i32>} : memref<128x128xf32, #tpu.memory_space<vmem>>, vector<1x16xf32>,
        %get3A_155 = vector.shape_cast %get3A_154 : vector<1x16xf32> to vector<16xf32>
        %mul3A_156 = arith.mulf %get3A_155, %gather3A_127 : vector<16xf32>
        %swap3A_157 = arith.index_cast %add3A_131 : i32 to index
        %swap3A_158 = arith.constant 32 : index
        %swap3A_159 = tpu.vector_load %arg12[%swap3A_157, %swap3A_158] {strides = array<i32>} : memref<128x128xf32, #tpu.memory_space<vmem>>, vector<1x16xf32>,
        %swap3A_160 = vector.shape_cast %swap3A_159 : vector<1x16xf32> to vector<16xf32>
        %swap3A_161 = vector.shape_cast %mul3A_156 : vector<16xf32> to vector<1x16xf32>
        tpu.vector_store %arg12[%swap3A_157, %swap3A_158], %swap3A_161 {strides = array<i32>} : memref<128x128xf32, #tpu.memory_space<vmem>>, vector<1x16xf32>,
        %get3A_162 = arith.index_cast %add3A_131 : i32 to index
        %get3A_163 = arith.constant 48 : index
        %get3A_164 = tpu.vector_load %arg12[%get3A_162, %get3A_163] {strides = array<i32>} : memref<128x128xf32, #tpu.memory_space<vmem>>, vector<1x16xf32>,
        %get3A_165 = vector.shape_cast %get3A_164 : vector<1x16xf32> to vector<16xf32>
        %mul3A_166 = arith.mulf %get3A_165, %gather3A_127 : vector<16xf32>
        %swap3A_167 = arith.index_cast %add3A_131 : i32 to index
        %swap3A_168 = arith.constant 48 : index
        %swap3A_169 = tpu.vector_load %arg12[%swap3A_167, %swap3A_168] {strides = array<i32>} : memref<128x128xf32, #tpu.memory_space<vmem>>, vector<1x16xf32>,
        %swap3A_170 = vector.shape_cast %swap3A_169 : vector<1x16xf32> to vector<16xf32>
        %swap3A_171 = vector.shape_cast %mul3A_166 : vector<16xf32> to vector<1x16xf32>
        tpu.vector_store %arg12[%swap3A_167, %swap3A_168], %swap3A_171 {strides = array<i32>} : memref<128x128xf32, #tpu.memory_space<vmem>>, vector<1x16xf32>,
        %get3A_172 = arith.index_cast %add3A_131 : i32 to index
        %get3A_173 = arith.constant 64 : index
        %get3A_174 = tpu.vector_load %arg12[%get3A_172, %get3A_173] {strides = array<i32>} : memref<128x128xf32, #tpu.memory_space<vmem>>, vector<1x16xf32>,
        %get3A_175 = vector.shape_cast %get3A_174 : vector<1x16xf32> to vector<16xf32>
        %mul3A_176 = arith.mulf %get3A_175, %gather3A_127 : vector<16xf32>
        %swap3A_177 = arith.index_cast %add3A_131 : i32 to index
        %swap3A_178 = arith.constant 64 : index
        %swap3A_179 = tpu.vector_load %arg12[%swap3A_177, %swap3A_178] {strides = array<i32>} : memref<128x128xf32, #tpu.memory_space<vmem>>, vector<1x16xf32>,
        %swap3A_180 = vector.shape_cast %swap3A_179 : vector<1x16xf32> to vector<16xf32>
        %swap3A_181 = vector.shape_cast %mul3A_176 : vector<16xf32> to vector<1x16xf32>
        tpu.vector_store %arg12[%swap3A_177, %swap3A_178], %swap3A_181 {strides = array<i32>} : memref<128x128xf32, #tpu.memory_space<vmem>>, vector<1x16xf32>,
        %get3A_182 = arith.index_cast %add3A_131 : i32 to index
        %get3A_183 = arith.constant 80 : index
        %get3A_184 = tpu.vector_load %arg12[%get3A_182, %get3A_183] {strides = array<i32>} : memref<128x128xf32, #tpu.memory_space<vmem>>, vector<1x16xf32>,
        %get3A_185 = vector.shape_cast %get3A_184 : vector<1x16xf32> to vector<16xf32>
        %mul3A_186 = arith.mulf %get3A_185, %gather3A_127 : vector<16xf32>
        %swap3A_187 = arith.index_cast %add3A_131 : i32 to index
        %swap3A_188 = arith.constant 80 : index
        %swap3A_189 = tpu.vector_load %arg12[%swap3A_187, %swap3A_188] {strides = array<i32>} : memref<128x128xf32, #tpu.memory_space<vmem>>, vector<1x16xf32>,
        %swap3A_190 = vector.shape_cast %swap3A_189 : vector<1x16xf32> to vector<16xf32>
        %swap3A_191 = vector.shape_cast %mul3A_186 : vector<16xf32> to vector<1x16xf32>
        tpu.vector_store %arg12[%swap3A_187, %swap3A_188], %swap3A_191 {strides = array<i32>} : memref<128x128xf32, #tpu.memory_space<vmem>>, vector<1x16xf32>,
        %get3A_192 = arith.index_cast %add3A_131 : i32 to index
        %get3A_193 = arith.constant 96 : index
        %get3A_194 = tpu.vector_load %arg12[%get3A_192, %get3A_193] {strides = array<i32>} : memref<128x128xf32, #tpu.memory_space<vmem>>, vector<1x16xf32>,
        %get3A_195 = vector.shape_cast %get3A_194 : vector<1x16xf32> to vector<16xf32>
        %mul3A_196 = arith.mulf %get3A_195, %gather3A_127 : vector<16xf32>
        %swap3A_197 = arith.index_cast %add3A_131 : i32 to index
        %swap3A_198 = arith.constant 96 : index
        %swap3A_199 = tpu.vector_load %arg12[%swap3A_197, %swap3A_198] {strides = array<i32>} : memref<128x128xf32, #tpu.memory_space<vmem>>, vector<1x16xf32>,
        %swap3A_200 = vector.shape_cast %swap3A_199 : vector<1x16xf32> to vector<16xf32>
        %swap3A_201 = vector.shape_cast %mul3A_196 : vector<16xf32> to vector<1x16xf32>
        tpu.vector_store %arg12[%swap3A_197, %swap3A_198], %swap3A_201 {strides = array<i32>} : memref<128x128xf32, #tpu.memory_space<vmem>>, vector<1x16xf32>,
        %get3A_202 = arith.index_cast %add3A_131 : i32 to index
        %get3A_203 = arith.constant 112 : index
        %get3A_204 = tpu.vector_load %arg12[%get3A_202, %get3A_203] {strides = array<i32>} : memref<128x128xf32, #tpu.memory_space<vmem>>, vector<1x16xf32>,
        %get3A_205 = vector.shape_cast %get3A_204 : vector<1x16xf32> to vector<16xf32>
        %mul3A_206 = arith.mulf %get3A_205, %gather3A_127 : vector<16xf32>
        %swap3A_207 = arith.index_cast %add3A_131 : i32 to index
        %swap3A_208 = arith.constant 112 : index
        %swap3A_209 = tpu.vector_load %arg12[%swap3A_207, %swap3A_208] {strides = array<i32>} : memref<128x128xf32, #tpu.memory_space<vmem>>, vector<1x16xf32>,
        %swap3A_210 = vector.shape_cast %swap3A_209 : vector<1x16xf32> to vector<16xf32>
        %swap3A_211 = vector.shape_cast %mul3A_206 : vector<16xf32> to vector<1x16xf32>
        tpu.vector_store %arg12[%swap3A_207, %swap3A_208], %swap3A_211 {strides = array<i32>} : memref<128x128xf32, #tpu.memory_space<vmem>>, vector<1x16xf32>,
        %broadcast_in_dim3A_212 = arith.constant 2 : i32
        %broadcast_in_dim3A_213 = vector.broadcast %broadcast_in_dim3A_212 : i32 to vector<16x1xi32>
        %gather3A_214 = vector.shape_cast %broadcast_in_dim3A_213 : vector<16x1xi32> to vector<16xi32>
        %gather3A_215 = tpu.dynamic_gather %get3A_38[%gather3A_214] in [0] : vector<16xf32>, vector<16xi32> -> vector<16xf32>
        %mul3A_216 = arith.constant 16 : i32
        %mul3A_217 = arith.muli %scan3A_33, %mul3A_216 : i32
        %add3A_218 = arith.constant 2 : i32
        %add3A_219 = arith.addi %mul3A_217, %add3A_218 : i32
        %get3A_220 = arith.index_cast %add3A_219 : i32 to index
        %get3A_221 = arith.constant 0 : index
        %get3A_222 = tpu.vector_load %arg12[%get3A_220, %get3A_221] {strides = array<i32>} : memref<128x128xf32, #tpu.memory_space<vmem>>, vector<1x16xf32>,
        %get3A_223 = vector.shape_cast %get3A_222 : vector<1x16xf32> to vector<16xf32>
        %mul3A_224 = arith.mulf %get3A_223, %gather3A_215 : vector<16xf32>
        %swap3A_225 = arith.index_cast %add3A_219 : i32 to index
        %swap3A_226 = arith.constant 0 : index
        %swap3A_227 = tpu.vector_load %arg12[%swap3A_225, %swap3A_226] {strides = array<i32>} : memref<128x128xf32, #tpu.memory_space<vmem>>, vector<1x16xf32>,
        %swap3A_228 = vector.shape_cast %swap3A_227 : vector<1x16xf32> to vector<16xf32>
        %swap3A_229 = vector.shape_cast %mul3A_224 : vector<16xf32> to vector<1x16xf32>
        tpu.vector_store %arg12[%swap3A_225, %swap3A_226], %swap3A_229 {strides = array<i32>} : memref<128x128xf32, #tpu.memory_space<vmem>>, vector<1x16xf32>,
        %get3A_230 = arith.index_cast %add3A_219 : i32 to index
        %get3A_231 = arith.constant 16 : index
        %get3A_232 = tpu.vector_load %arg12[%get3A_230, %get3A_231] {strides = array<i32>} : memref<128x128xf32, #tpu.memory_space<vmem>>, vector<1x16xf32>,
        %get3A_233 = vector.shape_cast %get3A_232 : vector<1x16xf32> to vector<16xf32>
        %mul3A_234 = arith.mulf %get3A_233, %gather3A_215 : vector<16xf32>
        %swap3A_235 = arith.index_cast %add3A_219 : i32 to index
        %swap3A_236 = arith.constant 16 : index
        %swap3A_237 = tpu.vector_load %arg12[%swap3A_235, %swap3A_236] {strides = array<i32>} : memref<128x128xf32, #tpu.memory_space<vmem>>, vector<1x16xf32>,
        %swap3A_238 = vector.shape_cast %swap3A_237 : vector<1x16xf32> to vector<16xf32>
        %swap3A_239 = vector.shape_cast %mul3A_234 : vector<16xf32> to vector<1x16xf32>
        tpu.vector_store %arg12[%swap3A_235, %swap3A_236], %swap3A_239 {strides = array<i32>} : memref<128x128xf32, #tpu.memory_space<vmem>>, vector<1x16xf32>,
        %get3A_240 = arith.index_cast %add3A_219 : i32 to index
        %get3A_241 = arith.constant 32 : index
        %get3A_242 = tpu.vector_load %arg12[%get3A_240, %get3A_241] {strides = array<i32>} : memref<128x128xf32, #tpu.memory_space<vmem>>, vector<1x16xf32>,
        %get3A_243 = vector.shape_cast %get3A_242 : vector<1x16xf32> to vector<16xf32>
        %mul3A_244 = arith.mulf %get3A_243, %gather3A_215 : vector<16xf32>
        %swap3A_245 = arith.index_cast %add3A_219 : i32 to index
        %swap3A_246 = arith.constant 32 : index
        %swap3A_247 = tpu.vector_load %arg12[%swap3A_245, %swap3A_246] {strides = array<i32>} : memref<128x128xf32, #tpu.memory_space<vmem>>, vector<1x16xf32>,
        %swap3A_248 = vector.shape_cast %swap3A_247 : vector<1x16xf32> to vector<16xf32>
        %swap3A_249 = vector.shape_cast %mul3A_244 : vector<16xf32> to vector<1x16xf32>
        tpu.vector_store %arg12[%swap3A_245, %swap3A_246], %swap3A_249 {strides = array<i32>} : memref<128x128xf32, #tpu.memory_space<vmem>>, vector<1x16xf32>,
        %get3A_250 = arith.index_cast %add3A_219 : i32 to index
        %get3A_251 = arith.constant 48 : index
        %get3A_252 = tpu.vector_load %arg12[%get3A_250, %get3A_251] {strides = array<i32>} : memref<128x128xf32, #tpu.memory_space<vmem>>, vector<1x16xf32>,
        %get3A_253 = vector.shape_cast %get3A_252 : vector<1x16xf32> to vector<16xf32>
        %mul3A_254 = arith.mulf %get3A_253, %gather3A_215 : vector<16xf32>
        %swap3A_255 = arith.index_cast %add3A_219 : i32 to index
        %swap3A_256 = arith.constant 48 : index
        %swap3A_257 = tpu.vector_load %arg12[%swap3A_255, %swap3A_256] {strides = array<i32>} : memref<128x128xf32, #tpu.memory_space<vmem>>, vector<1x16xf32>,
        %swap3A_258 = vector.shape_cast %swap3A_257 : vector<1x16xf32> to vector<16xf32>
        %swap3A_259 = vector.shape_cast %mul3A_254 : vector<16xf32> to vector<1x16xf32>
        tpu.vector_store %arg12[%swap3A_255, %swap3A_256], %swap3A_259 {strides = array<i32>} : memref<128x128xf32, #tpu.memory_space<vmem>>, vector<1x16xf32>,
        %get3A_260 = arith.index_cast %add3A_219 : i32 to index
        %get3A_261 = arith.constant 64 : index
        %get3A_262 = tpu.vector_load %arg12[%get3A_260, %get3A_261] {strides = array<i32>} : memref<128x128xf32, #tpu.memory_space<vmem>>, vector<1x16xf32>,
        %get3A_263 = vector.shape_cast %get3A_262 : vector<1x16xf32> to vector<16xf32>
        %mul3A_264 = arith.mulf %get3A_263, %gather3A_215 : vector<16xf32>
        %swap3A_265 = arith.index_cast %add3A_219 : i32 to index
        %swap3A_266 = arith.constant 64 : index
        %swap3A_267 = tpu.vector_load %arg12[%swap3A_265, %swap3A_266] {strides = array<i32>} : memref<128x128xf32, #tpu.memory_space<vmem>>, vector<1x16xf32>,
        %swap3A_268 = vector.shape_cast %swap3A_267 : vector<1x16xf32> to vector<16xf32>
        %swap3A_269 = vector.shape_cast %mul3A_264 : vector<16xf32> to vector<1x16xf32>
        tpu.vector_store %arg12[%swap3A_265, %swap3A_266], %swap3A_269 {strides = array<i32>} : memref<128x128xf32, #tpu.memory_space<vmem>>, vector<1x16xf32>,
        %get3A_270 = arith.index_cast %add3A_219 : i32 to index
        %get3A_271 = arith.constant 80 : index
        %get3A_272 = tpu.vector_load %arg12[%get3A_270, %get3A_271] {strides = array<i32>} : memref<128x128xf32, #tpu.memory_space<vmem>>, vector<1x16xf32>,
        %get3A_273 = vector.shape_cast %get3A_272 : vector<1x16xf32> to vector<16xf32>
        %mul3A_274 = arith.mulf %get3A_273, %gather3A_215 : vector<16xf32>
        %swap3A_275 = arith.index_cast %add3A_219 : i32 to index
        %swap3A_276 = arith.constant 80 : index
        %swap3A_277 = tpu.vector_load %arg12[%swap3A_275, %swap3A_276] {strides = array<i32>} : memref<128x128xf32, #tpu.memory_space<vmem>>, vector<1x16xf32>,
        %swap3A_278 = vector.shape_cast %swap3A_277 : vector<1x16xf32> to vector<16xf32>
        %swap3A_279 = vector.shape_cast %mul3A_274 : vector<16xf32> to vector<1x16xf32>
        tpu.vector_store %arg12[%swap3A_275, %swap3A_276], %swap3A_279 {strides = array<i32>} : memref<128x128xf32, #tpu.memory_space<vmem>>, vector<1x16xf32>,
        %get3A_280 = arith.index_cast %add3A_219 : i32 to index
        %get3A_281 = arith.constant 96 : index
        %get3A_282 = tpu.vector_load %arg12[%get3A_280, %get3A_281] {strides = array<i32>} : memref<128x128xf32, #tpu.memory_space<vmem>>, vector<1x16xf32>,
        %get3A_283 = vector.shape_cast %get3A_282 : vector<1x16xf32> to vector<16xf32>
        %mul3A_284 = arith.mulf %get3A_283, %gather3A_215 : vector<16xf32>
        %swap3A_285 = arith.index_cast %add3A_219 : i32 to index
        %swap3A_286 = arith.constant 96 : index
        %swap3A_287 = tpu.vector_load %arg12[%swap3A_285, %swap3A_286] {strides = array<i32>} : memref<128x128xf32, #tpu.memory_space<vmem>>, vector<1x16xf32>,
        %swap3A_288 = vector.shape_cast %swap3A_287 : vector<1x16xf32> to vector<16xf32>
        %swap3A_289 = vector.shape_cast %mul3A_284 : vector<16xf32> to vector<1x16xf32>
        tpu.vector_store %arg12[%swap3A_285, %swap3A_286], %swap3A_289 {strides = array<i32>} : memref<128x128xf32, #tpu.memory_space<vmem>>, vector<1x16xf32>,
        %get3A_290 = arith.index_cast %add3A_219 : i32 to index
        %get3A_291 = arith.constant 112 : index
        %get3A_292 = tpu.vector_load %arg12[%get3A_290, %get3A_291] {strides = array<i32>} : memref<128x128xf32, #tpu.memory_space<vmem>>, vector<1x16xf32>,
        %get3A_293 = vector.shape_cast %get3A_292 : vector<1x16xf32> to vector<16xf32>
        %mul3A_294 = arith.mulf %get3A_293, %gather3A_215 : vector<16xf32>
        %swap3A_295 = arith.index_cast %add3A_219 : i32 to index
        %swap3A_296 = arith.constant 112 : index
        %swap3A_297 = tpu.vector_load %arg12[%swap3A_295, %swap3A_296] {strides = array<i32>} : memref<128x128xf32, #tpu.memory_space<vmem>>, vector<1x16xf32>,
        %swap3A_298 = vector.shape_cast %swap3A_297 : vector<1x16xf32> to vector<16xf32>
        %swap3A_299 = vector.shape_cast %mul3A_294 : vector<16xf32> to vector<1x16xf32>
        tpu.vector_store %arg12[%swap3A_295, %swap3A_296], %swap3A_299 {strides = array<i32>} : memref<128x128xf32, #tpu.memory_space<vmem>>, vector<1x16xf32>,
        %broadcast_in_dim3A_300 = arith.constant 3 : i32
        %broadcast_in_dim3A_301 = vector.broadcast %broadcast_in_dim3A_300 : i32 to vector<16x1xi32>
        %gather3A_302 = vector.shape_cast %broadcast_in_dim3A_301 : vector<16x1xi32> to vector<16xi32>
        %gather3A_303 = tpu.dynamic_gather %get3A_38[%gather3A_302] in [0] : vector<16xf32>, vector<16xi32> -> vector<16xf32>
        %mul3A_304 = arith.constant 16 : i32
        %mul3A_305 = arith.muli %scan3A_33, %mul3A_304 : i32
        %add3A_306 = arith.constant 3 : i32
        %add3A_307 = arith.addi %mul3A_305, %add3A_306 : i32
        %get3A_308 = arith.index_cast %add3A_307 : i32 to index
        %get3A_309 = arith.constant 0 : index
        %get3A_310 = tpu.vector_load %arg12[%get3A_308, %get3A_309] {strides = array<i32>} : memref<128x128xf32, #tpu.memory_space<vmem>>, vector<1x16xf32>,
        %get3A_311 = vector.shape_cast %get3A_310 : vector<1x16xf32> to vector<16xf32>
        %mul3A_312 = arith.mulf %get3A_311, %gather3A_303 : vector<16xf32>
        %swap3A_313 = arith.index_cast %add3A_307 : i32 to index
        %swap3A_314 = arith.constant 0 : index
        %swap3A_315 = tpu.vector_load %arg12[%swap3A_313, %swap3A_314] {strides = array<i32>} : memref<128x128xf32, #tpu.memory_space<vmem>>, vector<1x16xf32>,
        %swap3A_316 = vector.shape_cast %swap3A_315 : vector<1x16xf32> to vector<16xf32>
        %swap3A_317 = vector.shape_cast %mul3A_312 : vector<16xf32> to vector<1x16xf32>
        tpu.vector_store %arg12[%swap3A_313, %swap3A_314], %swap3A_317 {strides = array<i32>} : memref<128x128xf32, #tpu.memory_space<vmem>>, vector<1x16xf32>,
        %get3A_318 = arith.index_cast %add3A_307 : i32 to index
        %get3A_319 = arith.constant 16 : index
        %get3A_320 = tpu.vector_load %arg12[%get3A_318, %get3A_319] {strides = array<i32>} : memref<128x128xf32, #tpu.memory_space<vmem>>, vector<1x16xf32>,
        %get3A_321 = vector.shape_cast %get3A_320 : vector<1x16xf32> to vector<16xf32>
        %mul3A_322 = arith.mulf %get3A_321, %gather3A_303 : vector<16xf32>
        %swap3A_323 = arith.index_cast %add3A_307 : i32 to index
        %swap3A_324 = arith.constant 16 : index
        %swap3A_325 = tpu.vector_load %arg12[%swap3A_323, %swap3A_324] {strides = array<i32>} : memref<128x128xf32, #tpu.memory_space<vmem>>, vector<1x16xf32>,
        %swap3A_326 = vector.shape_cast %swap3A_325 : vector<1x16xf32> to vector<16xf32>
        %swap3A_327 = vector.shape_cast %mul3A_322 : vector<16xf32> to vector<1x16xf32>
        tpu.vector_store %arg12[%swap3A_323, %swap3A_324], %swap3A_327 {strides = array<i32>} : memref<128x128xf32, #tpu.memory_space<vmem>>, vector<1x16xf32>,
        %get3A_328 = arith.index_cast %add3A_307 : i32 to index
        %get3A_329 = arith.constant 32 : index
        %get3A_330 = tpu.vector_load %arg12[%get3A_328, %get3A_329] {strides = array<i32>} : memref<128x128xf32, #tpu.memory_space<vmem>>, vector<1x16xf32>,
        %get3A_331 = vector.shape_cast %get3A_330 : vector<1x16xf32> to vector<16xf32>
        %mul3A_332 = arith.mulf %get3A_331, %gather3A_303 : vector<16xf32>
        %swap3A_333 = arith.index_cast %add3A_307 : i32 to index
        %swap3A_334 = arith.constant 32 : index
        %swap3A_335 = tpu.vector_load %arg12[%swap3A_333, %swap3A_334] {strides = array<i32>} : memref<128x128xf32, #tpu.memory_space<vmem>>, vector<1x16xf32>,
        %swap3A_336 = vector.shape_cast %swap3A_335 : vector<1x16xf32> to vector<16xf32>
        %swap3A_337 = vector.shape_cast %mul3A_332 : vector<16xf32> to vector<1x16xf32>
        tpu.vector_store %arg12[%swap3A_333, %swap3A_334], %swap3A_337 {strides = array<i32>} : memref<128x128xf32, #tpu.memory_space<vmem>>, vector<1x16xf32>,
        %get3A_338 = arith.index_cast %add3A_307 : i32 to index
        %get3A_339 = arith.constant 48 : index
        %get3A_340 = tpu.vector_load %arg12[%get3A_338, %get3A_339] {strides = array<i32>} : memref<128x128xf32, #tpu.memory_space<vmem>>, vector<1x16xf32>,
        %get3A_341 = vector.shape_cast %get3A_340 : vector<1x16xf32> to vector<16xf32>
        %mul3A_342 = arith.mulf %get3A_341, %gather3A_303 : vector<16xf32>
        %swap3A_343 = arith.index_cast %add3A_307 : i32 to index
        %swap3A_344 = arith.constant 48 : index
        %swap3A_345 = tpu.vector_load %arg12[%swap3A_343, %swap3A_344] {strides = array<i32>} : memref<128x128xf32, #tpu.memory_space<vmem>>, vector<1x16xf32>,
        %swap3A_346 = vector.shape_cast %swap3A_345 : vector<1x16xf32> to vector<16xf32>
        %swap3A_347 = vector.shape_cast %mul3A_342 : vector<16xf32> to vector<1x16xf32>
        tpu.vector_store %arg12[%swap3A_343, %swap3A_344], %swap3A_347 {strides = array<i32>} : memref<128x128xf32, #tpu.memory_space<vmem>>, vector<1x16xf32>,
        %get3A_348 = arith.index_cast %add3A_307 : i32 to index
        %get3A_349 = arith.constant 64 : index
        %get3A_350 = tpu.vector_load %arg12[%get3A_348, %get3A_349] {strides = array<i32>} : memref<128x128xf32, #tpu.memory_space<vmem>>, vector<1x16xf32>,
        %get3A_351 = vector.shape_cast %get3A_350 : vector<1x16xf32> to vector<16xf32>
        %mul3A_352 = arith.mulf %get3A_351, %gather3A_303 : vector<16xf32>
        %swap3A_353 = arith.index_cast %add3A_307 : i32 to index
        %swap3A_354 = arith.constant 64 : index
        %swap3A_355 = tpu.vector_load %arg12[%swap3A_353, %swap3A_354] {strides = array<i32>} : memref<128x128xf32, #tpu.memory_space<vmem>>, vector<1x16xf32>,
        %swap3A_356 = vector.shape_cast %swap3A_355 : vector<1x16xf32> to vector<16xf32>
        %swap3A_357 = vector.shape_cast %mul3A_352 : vector<16xf32> to vector<1x16xf32>
        tpu.vector_store %arg12[%swap3A_353, %swap3A_354], %swap3A_357 {strides = array<i32>} : memref<128x128xf32, #tpu.memory_space<vmem>>, vector<1x16xf32>,
        %get3A_358 = arith.index_cast %add3A_307 : i32 to index
        %get3A_359 = arith.constant 80 : index
        %get3A_360 = tpu.vector_load %arg12[%get3A_358, %get3A_359] {strides = array<i32>} : memref<128x128xf32, #tpu.memory_space<vmem>>, vector<1x16xf32>,
        %get3A_361 = vector.shape_cast %get3A_360 : vector<1x16xf32> to vector<16xf32>
        %mul3A_362 = arith.mulf %get3A_361, %gather3A_303 : vector<16xf32>
        %swap3A_363 = arith.index_cast %add3A_307 : i32 to index
        %swap3A_364 = arith.constant 80 : index
        %swap3A_365 = tpu.vector_load %arg12[%swap3A_363, %swap3A_364] {strides = array<i32>} : memref<128x128xf32, #tpu.memory_space<vmem>>, vector<1x16xf32>,
        %swap3A_366 = vector.shape_cast %swap3A_365 : vector<1x16xf32> to vector<16xf32>
        %swap3A_367 = vector.shape_cast %mul3A_362 : vector<16xf32> to vector<1x16xf32>
        tpu.vector_store %arg12[%swap3A_363, %swap3A_364], %swap3A_367 {strides = array<i32>} : memref<128x128xf32, #tpu.memory_space<vmem>>, vector<1x16xf32>,
        %get3A_368 = arith.index_cast %add3A_307 : i32 to index
        %get3A_369 = arith.constant 96 : index
        %get3A_370 = tpu.vector_load %arg12[%get3A_368, %get3A_369] {strides = array<i32>} : memref<128x128xf32, #tpu.memory_space<vmem>>, vector<1x16xf32>,
        %get3A_371 = vector.shape_cast %get3A_370 : vector<1x16xf32> to vector<16xf32>
        %mul3A_372 = arith.mulf %get3A_371, %gather3A_303 : vector<16xf32>
        %swap3A_373 = arith.index_cast %add3A_307 : i32 to index
        %swap3A_374 = arith.constant 96 : index
        %swap3A_375 = tpu.vector_load %arg12[%swap3A_373, %swap3A_374] {strides = array<i32>} : memref<128x128xf32, #tpu.memory_space<vmem>>, vector<1x16xf32>,
        %swap3A_376 = vector.shape_cast %swap3A_375 : vector<1x16xf32> to vector<16xf32>
        %swap3A_377 = vector.shape_cast %mul3A_372 : vector<16xf32> to vector<1x16xf32>
        tpu.vector_store %arg12[%swap3A_373, %swap3A_374], %swap3A_377 {strides = array<i32>} : memref<128x128xf32, #tpu.memory_space<vmem>>, vector<1x16xf32>,
        %get3A_378 = arith.index_cast %add3A_307 : i32 to index
        %get3A_379 = arith.constant 112 : index
        %get3A_380 = tpu.vector_load %arg12[%get3A_378, %get3A_379] {strides = array<i32>} : memref<128x128xf32, #tpu.memory_space<vmem>>, vector<1x16xf32>,
        %get3A_381 = vector.shape_cast %get3A_380 : vector<1x16xf32> to vector<16xf32>
        %mul3A_382 = arith.mulf %get3A_381, %gather3A_303 : vector<16xf32>
        %swap3A_383 = arith.index_cast %add3A_307 : i32 to index
        %swap3A_384 = arith.constant 112 : index
        %swap3A_385 = tpu.vector_load %arg12[%swap3A_383, %swap3A_384] {strides = array<i32>} : memref<128x128xf32, #tpu.memory_space<vmem>>, vector<1x16xf32>,
        %swap3A_386 = vector.shape_cast %swap3A_385 : vector<1x16xf32> to vector<16xf32>
        %swap3A_387 = vector.shape_cast %mul3A_382 : vector<16xf32> to vector<1x16xf32>
        tpu.vector_store %arg12[%swap3A_383, %swap3A_384], %swap3A_387 {strides = array<i32>} : memref<128x128xf32, #tpu.memory_space<vmem>>, vector<1x16xf32>,
        %broadcast_in_dim3A_388 = arith.constant 4 : i32
        %broadcast_in_dim3A_389 = vector.broadcast %broadcast_in_dim3A_388 : i32 to vector<16x1xi32>
        %gather3A_390 = vector.shape_cast %broadcast_in_dim3A_389 : vector<16x1xi32> to vector<16xi32>
        %gather3A_391 = tpu.dynamic_gather %get3A_38[%gather3A_390] in [0] : vector<16xf32>, vector<16xi32> -> vector<16xf32>
        %mul3A_392 = arith.constant 16 : i32
        %mul3A_393 = arith.muli %scan3A_33, %mul3A_392 : i32
        %add3A_394 = arith.constant 4 : i32
        %add3A_395 = arith.addi %mul3A_393, %add3A_394 : i32
        %get3A_396 = arith.index_cast %add3A_395 : i32 to index
        %get3A_397 = arith.constant 0 : index
        %get3A_398 = tpu.vector_load %arg12[%get3A_396, %get3A_397] {strides = array<i32>} : memref<128x128xf32, #tpu.memory_space<vmem>>, vector<1x16xf32>,
        %get3A_399 = vector.shape_cast %get3A_398 : vector<1x16xf32> to vector<16xf32>
        %mul3A_400 = arith.mulf %get3A_399, %gather3A_391 : vector<16xf32>
        %swap3A_401 = arith.index_cast %add3A_395 : i32 to index
        %swap3A_402 = arith.constant 0 : index
        %swap3A_403 = tpu.vector_load %arg12[%swap3A_401, %swap3A_402] {strides = array<i32>} : memref<128x128xf32, #tpu.memory_space<vmem>>, vector<1x16xf32>,
        %swap3A_404 = vector.shape_cast %swap3A_403 : vector<1x16xf32> to vector<16xf32>
        %swap3A_405 = vector.shape_cast %mul3A_400 : vector<16xf32> to vector<1x16xf32>
        tpu.vector_store %arg12[%swap3A_401, %swap3A_402], %swap3A_405 {strides = array<i32>} : memref<128x128xf32, #tpu.memory_space<vmem>>, vector<1x16xf32>,
        %get3A_406 = arith.index_cast %add3A_395 : i32 to index
        %get3A_407 = arith.constant 16 : index
        %get3A_408 = tpu.vector_load %arg12[%get3A_406, %get3A_407] {strides = array<i32>} : memref<128x128xf32, #tpu.memory_space<vmem>>, vector<1x16xf32>,
        %get3A_409 = vector.shape_cast %get3A_408 : vector<1x16xf32> to vector<16xf32>
        %mul3A_410 = arith.mulf %get3A_409, %gather3A_391 : vector<16xf32>
        %swap3A_411 = arith.index_cast %add3A_395 : i32 to index
        %swap3A_412 = arith.constant 16 : index
        %swap3A_413 = tpu.vector_load %arg12[%swap3A_411, %swap3A_412] {strides = array<i32>} : memref<128x128xf32, #tpu.memory_space<vmem>>, vector<1x16xf32>,
        %swap3A_414 = vector.shape_cast %swap3A_413 : vector<1x16xf32> to vector<16xf32>
        %swap3A_415 = vector.shape_cast %mul3A_410 : vector<16xf32> to vector<1x16xf32>
        tpu.vector_store %arg12[%swap3A_411, %swap3A_412], %swap3A_415 {strides = array<i32>} : memref<128x128xf32, #tpu.memory_space<vmem>>, vector<1x16xf32>,
        %get3A_416 = arith.index_cast %add3A_395 : i32 to index
        %get3A_417 = arith.constant 32 : index
        %get3A_418 = tpu.vector_load %arg12[%get3A_416, %get3A_417] {strides = array<i32>} : memref<128x128xf32, #tpu.memory_space<vmem>>, vector<1x16xf32>,
        %get3A_419 = vector.shape_cast %get3A_418 : vector<1x16xf32> to vector<16xf32>
        %mul3A_420 = arith.mulf %get3A_419, %gather3A_391 : vector<16xf32>
        %swap3A_421 = arith.index_cast %add3A_395 : i32 to index
        %swap3A_422 = arith.constant 32 : index
        %swap3A_423 = tpu.vector_load %arg12[%swap3A_421, %swap3A_422] {strides = array<i32>} : memref<128x128xf32, #tpu.memory_space<vmem>>, vector<1x16xf32>,
        %swap3A_424 = vector.shape_cast %swap3A_423 : vector<1x16xf32> to vector<16xf32>
        %swap3A_425 = vector.shape_cast %mul3A_420 : vector<16xf32> to vector<1x16xf32>
        tpu.vector_store %arg12[%swap3A_421, %swap3A_422], %swap3A_425 {strides = array<i32>} : memref<128x128xf32, #tpu.memory_space<vmem>>, vector<1x16xf32>,
        %get3A_426 = arith.index_cast %add3A_395 : i32 to index
        %get3A_427 = arith.constant 48 : index
        %get3A_428 = tpu.vector_load %arg12[%get3A_426, %get3A_427] {strides = array<i32>} : memref<128x128xf32, #tpu.memory_space<vmem>>, vector<1x16xf32>,
        %get3A_429 = vector.shape_cast %get3A_428 : vector<1x16xf32> to vector<16xf32>
        %mul3A_430 = arith.mulf %get3A_429, %gather3A_391 : vector<16xf32>
        %swap3A_431 = arith.index_cast %add3A_395 : i32 to index
        %swap3A_432 = arith.constant 48 : index
        %swap3A_433 = tpu.vector_load %arg12[%swap3A_431, %swap3A_432] {strides = array<i32>} : memref<128x128xf32, #tpu.memory_space<vmem>>, vector<1x16xf32>,
        %swap3A_434 = vector.shape_cast %swap3A_433 : vector<1x16xf32> to vector<16xf32>
        %swap3A_435 = vector.shape_cast %mul3A_430 : vector<16xf32> to vector<1x16xf32>
        tpu.vector_store %arg12[%swap3A_431, %swap3A_432], %swap3A_435 {strides = array<i32>} : memref<128x128xf32, #tpu.memory_space<vmem>>, vector<1x16xf32>,
        %get3A_436 = arith.index_cast %add3A_395 : i32 to index
        %get3A_437 = arith.constant 64 : index
        %get3A_438 = tpu.vector_load %arg12[%get3A_436, %get3A_437] {strides = array<i32>} : memref<128x128xf32, #tpu.memory_space<vmem>>, vector<1x16xf32>,
        %get3A_439 = vector.shape_cast %get3A_438 : vector<1x16xf32> to vector<16xf32>
        %mul3A_440 = arith.mulf %get3A_439, %gather3A_391 : vector<16xf32>
        %swap3A_441 = arith.index_cast %add3A_395 : i32 to index
        %swap3A_442 = arith.constant 64 : index
        %swap3A_443 = tpu.vector_load %arg12[%swap3A_441, %swap3A_442] {strides = array<i32>} : memref<128x128xf32, #tpu.memory_space<vmem>>, vector<1x16xf32>,
        %swap3A_444 = vector.shape_cast %swap3A_443 : vector<1x16xf32> to vector<16xf32>
        %swap3A_445 = vector.shape_cast %mul3A_440 : vector<16xf32> to vector<1x16xf32>
        tpu.vector_store %arg12[%swap3A_441, %swap3A_442], %swap3A_445 {strides = array<i32>} : memref<128x128xf32, #tpu.memory_space<vmem>>, vector<1x16xf32>,
        %get3A_446 = arith.index_cast %add3A_395 : i32 to index
        %get3A_447 = arith.constant 80 : index
        %get3A_448 = tpu.vector_load %arg12[%get3A_446, %get3A_447] {strides = array<i32>} : memref<128x128xf32, #tpu.memory_space<vmem>>, vector<1x16xf32>,
        %get3A_449 = vector.shape_cast %get3A_448 : vector<1x16xf32> to vector<16xf32>
        %mul3A_450 = arith.mulf %get3A_449, %gather3A_391 : vector<16xf32>
        %swap3A_451 = arith.index_cast %add3A_395 : i32 to index
        %swap3A_452 = arith.constant 80 : index
        %swap3A_453 = tpu.vector_load %arg12[%swap3A_451, %swap3A_452] {strides = array<i32>} : memref<128x128xf32, #tpu.memory_space<vmem>>, vector<1x16xf32>,
        %swap3A_454 = vector.shape_cast %swap3A_453 : vector<1x16xf32> to vector<16xf32>
        %swap3A_455 = vector.shape_cast %mul3A_450 : vector<16xf32> to vector<1x16xf32>
        tpu.vector_store %arg12[%swap3A_451, %swap3A_452], %swap3A_455 {strides = array<i32>} : memref<128x128xf32, #tpu.memory_space<vmem>>, vector<1x16xf32>,
        %get3A_456 = arith.index_cast %add3A_395 : i32 to index
        %get3A_457 = arith.constant 96 : index
        %get3A_458 = tpu.vector_load %arg12[%get3A_456, %get3A_457] {strides = array<i32>} : memref<128x128xf32, #tpu.memory_space<vmem>>, vector<1x16xf32>,
        %get3A_459 = vector.shape_cast %get3A_458 : vector<1x16xf32> to vector<16xf32>
        %mul3A_460 = arith.mulf %get3A_459, %gather3A_391 : vector<16xf32>
        %swap3A_461 = arith.index_cast %add3A_395 : i32 to index
        %swap3A_462 = arith.constant 96 : index
        %swap3A_463 = tpu.vector_load %arg12[%swap3A_461, %swap3A_462] {strides = array<i32>} : memref<128x128xf32, #tpu.memory_space<vmem>>, vector<1x16xf32>,
        %swap3A_464 = vector.shape_cast %swap3A_463 : vector<1x16xf32> to vector<16xf32>
        %swap3A_465 = vector.shape_cast %mul3A_460 : vector<16xf32> to vector<1x16xf32>
        tpu.vector_store %arg12[%swap3A_461, %swap3A_462], %swap3A_465 {strides = array<i32>} : memref<128x128xf32, #tpu.memory_space<vmem>>, vector<1x16xf32>,
        %get3A_466 = arith.index_cast %add3A_395 : i32 to index
        %get3A_467 = arith.constant 112 : index
        %get3A_468 = tpu.vector_load %arg12[%get3A_466, %get3A_467] {strides = array<i32>} : memref<128x128xf32, #tpu.memory_space<vmem>>, vector<1x16xf32>,
        %get3A_469 = vector.shape_cast %get3A_468 : vector<1x16xf32> to vector<16xf32>
        %mul3A_470 = arith.mulf %get3A_469, %gather3A_391 : vector<16xf32>
        %swap3A_471 = arith.index_cast %add3A_395 : i32 to index
        %swap3A_472 = arith.constant 112 : index
        %swap3A_473 = tpu.vector_load %arg12[%swap3A_471, %swap3A_472] {strides = array<i32>} : memref<128x128xf32, #tpu.memory_space<vmem>>, vector<1x16xf32>,
        %swap3A_474 = vector.shape_cast %swap3A_473 : vector<1x16xf32> to vector<16xf32>
        %swap3A_475 = vector.shape_cast %mul3A_470 : vector<16xf32> to vector<1x16xf32>
        tpu.vector_store %arg12[%swap3A_471, %swap3A_472], %swap3A_475 {strides = array<i32>} : memref<128x128xf32, #tpu.memory_space<vmem>>, vector<1x16xf32>,
        %broadcast_in_dim3A_476 = arith.constant 5 : i32
        %broadcast_in_dim3A_477 = vector.broadcast %broadcast_in_dim3A_476 : i32 to vector<16x1xi32>
        %gather3A_478 = vector.shape_cast %broadcast_in_dim3A_477 : vector<16x1xi32> to vector<16xi32>
        %gather3A_479 = tpu.dynamic_gather %get3A_38[%gather3A_478] in [0] : vector<16xf32>, vector<16xi32> -> vector<16xf32>
        %mul3A_480 = arith.constant 16 : i32
        %mul3A_481 = arith.muli %scan3A_33, %mul3A_480 : i32
        %add3A_482 = arith.constant 5 : i32
        %add3A_483 = arith.addi %mul3A_481, %add3A_482 : i32
        %get3A_484 = arith.index_cast %add3A_483 : i32 to index
        %get3A_485 = arith.constant 0 : index
        %get3A_486 = tpu.vector_load %arg12[%get3A_484, %get3A_485] {strides = array<i32>} : memref<128x128xf32, #tpu.memory_space<vmem>>, vector<1x16xf32>,
        %get3A_487 = vector.shape_cast %get3A_486 : vector<1x16xf32> to vector<16xf32>
        %mul3A_488 = arith.mulf %get3A_487, %gather3A_479 : vector<16xf32>
        %swap3A_489 = arith.index_cast %add3A_483 : i32 to index
        %swap3A_490 = arith.constant 0 : index
        %swap3A_491 = tpu.vector_load %arg12[%swap3A_489, %swap3A_490] {strides = array<i32>} : memref<128x128xf32, #tpu.memory_space<vmem>>, vector<1x16xf32>,
        %swap3A_492 = vector.shape_cast %swap3A_491 : vector<1x16xf32> to vector<16xf32>
        %swap3A_493 = vector.shape_cast %mul3A_488 : vector<16xf32> to vector<1x16xf32>
        tpu.vector_store %arg12[%swap3A_489, %swap3A_490], %swap3A_493 {strides = array<i32>} : memref<128x128xf32, #tpu.memory_space<vmem>>, vector<1x16xf32>,
        %get3A_494 = arith.index_cast %add3A_483 : i32 to index
        %get3A_495 = arith.constant 16 : index
        %get3A_496 = tpu.vector_load %arg12[%get3A_494, %get3A_495] {strides = array<i32>} : memref<128x128xf32, #tpu.memory_space<vmem>>, vector<1x16xf32>,
        %get3A_497 = vector.shape_cast %get3A_496 : vector<1x16xf32> to vector<16xf32>
        %mul3A_498 = arith.mulf %get3A_497, %gather3A_479 : vector<16xf32>
        %swap3A_499 = arith.index_cast %add3A_483 : i32 to index
        %swap3A_500 = arith.constant 16 : index
        %swap3A_501 = tpu.vector_load %arg12[%swap3A_499, %swap3A_500] {strides = array<i32>} : memref<128x128xf32, #tpu.memory_space<vmem>>, vector<1x16xf32>,
        %swap3A_502 = vector.shape_cast %swap3A_501 : vector<1x16xf32> to vector<16xf32>
        %swap3A_503 = vector.shape_cast %mul3A_498 : vector<16xf32> to vector<1x16xf32>
        tpu.vector_store %arg12[%swap3A_499, %swap3A_500], %swap3A_503 {strides = array<i32>} : memref<128x128xf32, #tpu.memory_space<vmem>>, vector<1x16xf32>,
        %get3A_504 = arith.index_cast %add3A_483 : i32 to index
        %get3A_505 = arith.constant 32 : index
        %get3A_506 = tpu.vector_load %arg12[%get3A_504, %get3A_505] {strides = array<i32>} : memref<128x128xf32, #tpu.memory_space<vmem>>, vector<1x16xf32>,
        %get3A_507 = vector.shape_cast %get3A_506 : vector<1x16xf32> to vector<16xf32>
        %mul3A_508 = arith.mulf %get3A_507, %gather3A_479 : vector<16xf32>
        %swap3A_509 = arith.index_cast %add3A_483 : i32 to index
        %swap3A_510 = arith.constant 32 : index
        %swap3A_511 = tpu.vector_load %arg12[%swap3A_509, %swap3A_510] {strides = array<i32>} : memref<128x128xf32, #tpu.memory_space<vmem>>, vector<1x16xf32>,
        %swap3A_512 = vector.shape_cast %swap3A_511 : vector<1x16xf32> to vector<16xf32>
        %swap3A_513 = vector.shape_cast %mul3A_508 : vector<16xf32> to vector<1x16xf32>
        tpu.vector_store %arg12[%swap3A_509, %swap3A_510], %swap3A_513 {strides = array<i32>} : memref<128x128xf32, #tpu.memory_space<vmem>>, vector<1x16xf32>,
        %get3A_514 = arith.index_cast %add3A_483 : i32 to index
        %get3A_515 = arith.constant 48 : index
        %get3A_516 = tpu.vector_load %arg12[%get3A_514, %get3A_515] {strides = array<i32>} : memref<128x128xf32, #tpu.memory_space<vmem>>, vector<1x16xf32>,
        %get3A_517 = vector.shape_cast %get3A_516 : vector<1x16xf32> to vector<16xf32>
        %mul3A_518 = arith.mulf %get3A_517, %gather3A_479 : vector<16xf32>
        %swap3A_519 = arith.index_cast %add3A_483 : i32 to index
        %swap3A_520 = arith.constant 48 : index
        %swap3A_521 = tpu.vector_load %arg12[%swap3A_519, %swap3A_520] {strides = array<i32>} : memref<128x128xf32, #tpu.memory_space<vmem>>, vector<1x16xf32>,
        %swap3A_522 = vector.shape_cast %swap3A_521 : vector<1x16xf32> to vector<16xf32>
        %swap3A_523 = vector.shape_cast %mul3A_518 : vector<16xf32> to vector<1x16xf32>
        tpu.vector_store %arg12[%swap3A_519, %swap3A_520], %swap3A_523 {strides = array<i32>} : memref<128x128xf32, #tpu.memory_space<vmem>>, vector<1x16xf32>,
        %get3A_524 = arith.index_cast %add3A_483 : i32 to index
        %get3A_525 = arith.constant 64 : index
        %get3A_526 = tpu.vector_load %arg12[%get3A_524, %get3A_525] {strides = array<i32>} : memref<128x128xf32, #tpu.memory_space<vmem>>, vector<1x16xf32>,
        %get3A_527 = vector.shape_cast %get3A_526 : vector<1x16xf32> to vector<16xf32>
        %mul3A_528 = arith.mulf %get3A_527, %gather3A_479 : vector<16xf32>
        %swap3A_529 = arith.index_cast %add3A_483 : i32 to index
        %swap3A_530 = arith.constant 64 : index
        %swap3A_531 = tpu.vector_load %arg12[%swap3A_529, %swap3A_530] {strides = array<i32>} : memref<128x128xf32, #tpu.memory_space<vmem>>, vector<1x16xf32>,
        %swap3A_532 = vector.shape_cast %swap3A_531 : vector<1x16xf32> to vector<16xf32>
        %swap3A_533 = vector.shape_cast %mul3A_528 : vector<16xf32> to vector<1x16xf32>
        tpu.vector_store %arg12[%swap3A_529, %swap3A_530], %swap3A_533 {strides = array<i32>} : memref<128x128xf32, #tpu.memory_space<vmem>>, vector<1x16xf32>,
        %get3A_534 = arith.index_cast %add3A_483 : i32 to index
        %get3A_535 = arith.constant 80 : index
        %get3A_536 = tpu.vector_load %arg12[%get3A_534, %get3A_535] {strides = array<i32>} : memref<128x128xf32, #tpu.memory_space<vmem>>, vector<1x16xf32>,
        %get3A_537 = vector.shape_cast %get3A_536 : vector<1x16xf32> to vector<16xf32>
        %mul3A_538 = arith.mulf %get3A_537, %gather3A_479 : vector<16xf32>
        %swap3A_539 = arith.index_cast %add3A_483 : i32 to index
        %swap3A_540 = arith.constant 80 : index
        %swap3A_541 = tpu.vector_load %arg12[%swap3A_539, %swap3A_540] {strides = array<i32>} : memref<128x128xf32, #tpu.memory_space<vmem>>, vector<1x16xf32>,
        %swap3A_542 = vector.shape_cast %swap3A_541 : vector<1x16xf32> to vector<16xf32>
        %swap3A_543 = vector.shape_cast %mul3A_538 : vector<16xf32> to vector<1x16xf32>
        tpu.vector_store %arg12[%swap3A_539, %swap3A_540], %swap3A_543 {strides = array<i32>} : memref<128x128xf32, #tpu.memory_space<vmem>>, vector<1x16xf32>,
        %get3A_544 = arith.index_cast %add3A_483 : i32 to index
        %get3A_545 = arith.constant 96 : index
        %get3A_546 = tpu.vector_load %arg12[%get3A_544, %get3A_545] {strides = array<i32>} : memref<128x128xf32, #tpu.memory_space<vmem>>, vector<1x16xf32>,
        %get3A_547 = vector.shape_cast %get3A_546 : vector<1x16xf32> to vector<16xf32>
        %mul3A_548 = arith.mulf %get3A_547, %gather3A_479 : vector<16xf32>
        %swap3A_549 = arith.index_cast %add3A_483 : i32 to index
        %swap3A_550 = arith.constant 96 : index
        %swap3A_551 = tpu.vector_load %arg12[%swap3A_549, %swap3A_550] {strides = array<i32>} : memref<128x128xf32, #tpu.memory_space<vmem>>, vector<1x16xf32>,
        %swap3A_552 = vector.shape_cast %swap3A_551 : vector<1x16xf32> to vector<16xf32>
        %swap3A_553 = vector.shape_cast %mul3A_548 : vector<16xf32> to vector<1x16xf32>
        tpu.vector_store %arg12[%swap3A_549, %swap3A_550], %swap3A_553 {strides = array<i32>} : memref<128x128xf32, #tpu.memory_space<vmem>>, vector<1x16xf32>,
        %get3A_554 = arith.index_cast %add3A_483 : i32 to index
        %get3A_555 = arith.constant 112 : index
        %get3A_556 = tpu.vector_load %arg12[%get3A_554, %get3A_555] {strides = array<i32>} : memref<128x128xf32, #tpu.memory_space<vmem>>, vector<1x16xf32>,
        %get3A_557 = vector.shape_cast %get3A_556 : vector<1x16xf32> to vector<16xf32>
        %mul3A_558 = arith.mulf %get3A_557, %gather3A_479 : vector<16xf32>
        %swap3A_559 = arith.index_cast %add3A_483 : i32 to index
        %swap3A_560 = arith.constant 112 : index
        %swap3A_561 = tpu.vector_load %arg12[%swap3A_559, %swap3A_560] {strides = array<i32>} : memref<128x128xf32, #tpu.memory_space<vmem>>, vector<1x16xf32>,
        %swap3A_562 = vector.shape_cast %swap3A_561 : vector<1x16xf32> to vector<16xf32>
        %swap3A_563 = vector.shape_cast %mul3A_558 : vector<16xf32> to vector<1x16xf32>
        tpu.vector_store %arg12[%swap3A_559, %swap3A_560], %swap3A_563 {strides = array<i32>} : memref<128x128xf32, #tpu.memory_space<vmem>>, vector<1x16xf32>,
        %broadcast_in_dim3A_564 = arith.constant 6 : i32
        %broadcast_in_dim3A_565 = vector.broadcast %broadcast_in_dim3A_564 : i32 to vector<16x1xi32>
        %gather3A_566 = vector.shape_cast %broadcast_in_dim3A_565 : vector<16x1xi32> to vector<16xi32>
        %gather3A_567 = tpu.dynamic_gather %get3A_38[%gather3A_566] in [0] : vector<16xf32>, vector<16xi32> -> vector<16xf32>
        %mul3A_568 = arith.constant 16 : i32
        %mul3A_569 = arith.muli %scan3A_33, %mul3A_568 : i32
        %add3A_570 = arith.constant 6 : i32
        %add3A_571 = arith.addi %mul3A_569, %add3A_570 : i32
        %get3A_572 = arith.index_cast %add3A_571 : i32 to index
        %get3A_573 = arith.constant 0 : index
        %get3A_574 = tpu.vector_load %arg12[%get3A_572, %get3A_573] {strides = array<i32>} : memref<128x128xf32, #tpu.memory_space<vmem>>, vector<1x16xf32>,
        %get3A_575 = vector.shape_cast %get3A_574 : vector<1x16xf32> to vector<16xf32>
        %mul3A_576 = arith.mulf %get3A_575, %gather3A_567 : vector<16xf32>
        %swap3A_577 = arith.index_cast %add3A_571 : i32 to index
        %swap3A_578 = arith.constant 0 : index
        %swap3A_579 = tpu.vector_load %arg12[%swap3A_577, %swap3A_578] {strides = array<i32>} : memref<128x128xf32, #tpu.memory_space<vmem>>, vector<1x16xf32>,
        %swap3A_580 = vector.shape_cast %swap3A_579 : vector<1x16xf32> to vector<16xf32>
        %swap3A_581 = vector.shape_cast %mul3A_576 : vector<16xf32> to vector<1x16xf32>
        tpu.vector_store %arg12[%swap3A_577, %swap3A_578], %swap3A_581 {strides = array<i32>} : memref<128x128xf32, #tpu.memory_space<vmem>>, vector<1x16xf32>,
        %get3A_582 = arith.index_cast %add3A_571 : i32 to index
        %get3A_583 = arith.constant 16 : index
        %get3A_584 = tpu.vector_load %arg12[%get3A_582, %get3A_583] {strides = array<i32>} : memref<128x128xf32, #tpu.memory_space<vmem>>, vector<1x16xf32>,
        %get3A_585 = vector.shape_cast %get3A_584 : vector<1x16xf32> to vector<16xf32>
        %mul3A_586 = arith.mulf %get3A_585, %gather3A_567 : vector<16xf32>
        %swap3A_587 = arith.index_cast %add3A_571 : i32 to index
        %swap3A_588 = arith.constant 16 : index
        %swap3A_589 = tpu.vector_load %arg12[%swap3A_587, %swap3A_588] {strides = array<i32>} : memref<128x128xf32, #tpu.memory_space<vmem>>, vector<1x16xf32>,
        %swap3A_590 = vector.shape_cast %swap3A_589 : vector<1x16xf32> to vector<16xf32>
        %swap3A_591 = vector.shape_cast %mul3A_586 : vector<16xf32> to vector<1x16xf32>
        tpu.vector_store %arg12[%swap3A_587, %swap3A_588], %swap3A_591 {strides = array<i32>} : memref<128x128xf32, #tpu.memory_space<vmem>>, vector<1x16xf32>,
        %get3A_592 = arith.index_cast %add3A_571 : i32 to index
        %get3A_593 = arith.constant 32 : index
        %get3A_594 = tpu.vector_load %arg12[%get3A_592, %get3A_593] {strides = array<i32>} : memref<128x128xf32, #tpu.memory_space<vmem>>, vector<1x16xf32>,
        %get3A_595 = vector.shape_cast %get3A_594 : vector<1x16xf32> to vector<16xf32>
        %mul3A_596 = arith.mulf %get3A_595, %gather3A_567 : vector<16xf32>
        %swap3A_597 = arith.index_cast %add3A_571 : i32 to index
        %swap3A_598 = arith.constant 32 : index
        %swap3A_599 = tpu.vector_load %arg12[%swap3A_597, %swap3A_598] {strides = array<i32>} : memref<128x128xf32, #tpu.memory_space<vmem>>, vector<1x16xf32>,
        %swap3A_600 = vector.shape_cast %swap3A_599 : vector<1x16xf32> to vector<16xf32>
        %swap3A_601 = vector.shape_cast %mul3A_596 : vector<16xf32> to vector<1x16xf32>
        tpu.vector_store %arg12[%swap3A_597, %swap3A_598], %swap3A_601 {strides = array<i32>} : memref<128x128xf32, #tpu.memory_space<vmem>>, vector<1x16xf32>,
        %get3A_602 = arith.index_cast %add3A_571 : i32 to index
        %get3A_603 = arith.constant 48 : index
        %get3A_604 = tpu.vector_load %arg12[%get3A_602, %get3A_603] {strides = array<i32>} : memref<128x128xf32, #tpu.memory_space<vmem>>, vector<1x16xf32>,
        %get3A_605 = vector.shape_cast %get3A_604 : vector<1x16xf32> to vector<16xf32>
        %mul3A_606 = arith.mulf %get3A_605, %gather3A_567 : vector<16xf32>
        %swap3A_607 = arith.index_cast %add3A_571 : i32 to index
        %swap3A_608 = arith.constant 48 : index
        %swap3A_609 = tpu.vector_load %arg12[%swap3A_607, %swap3A_608] {strides = array<i32>} : memref<128x128xf32, #tpu.memory_space<vmem>>, vector<1x16xf32>,
        %swap3A_610 = vector.shape_cast %swap3A_609 : vector<1x16xf32> to vector<16xf32>
        %swap3A_611 = vector.shape_cast %mul3A_606 : vector<16xf32> to vector<1x16xf32>
        tpu.vector_store %arg12[%swap3A_607, %swap3A_608], %swap3A_611 {strides = array<i32>} : memref<128x128xf32, #tpu.memory_space<vmem>>, vector<1x16xf32>,
        %get3A_612 = arith.index_cast %add3A_571 : i32 to index
        %get3A_613 = arith.constant 64 : index
        %get3A_614 = tpu.vector_load %arg12[%get3A_612, %get3A_613] {strides = array<i32>} : memref<128x128xf32, #tpu.memory_space<vmem>>, vector<1x16xf32>,
        %get3A_615 = vector.shape_cast %get3A_614 : vector<1x16xf32> to vector<16xf32>
        %mul3A_616 = arith.mulf %get3A_615, %gather3A_567 : vector<16xf32>
        %swap3A_617 = arith.index_cast %add3A_571 : i32 to index
        %swap3A_618 = arith.constant 64 : index
        %swap3A_619 = tpu.vector_load %arg12[%swap3A_617, %swap3A_618] {strides = array<i32>} : memref<128x128xf32, #tpu.memory_space<vmem>>, vector<1x16xf32>,
        %swap3A_620 = vector.shape_cast %swap3A_619 : vector<1x16xf32> to vector<16xf32>
        %swap3A_621 = vector.shape_cast %mul3A_616 : vector<16xf32> to vector<1x16xf32>
        tpu.vector_store %arg12[%swap3A_617, %swap3A_618], %swap3A_621 {strides = array<i32>} : memref<128x128xf32, #tpu.memory_space<vmem>>, vector<1x16xf32>,
        %get3A_622 = arith.index_cast %add3A_571 : i32 to index
        %get3A_623 = arith.constant 80 : index
        %get3A_624 = tpu.vector_load %arg12[%get3A_622, %get3A_623] {strides = array<i32>} : memref<128x128xf32, #tpu.memory_space<vmem>>, vector<1x16xf32>,
        %get3A_625 = vector.shape_cast %get3A_624 : vector<1x16xf32> to vector<16xf32>
        %mul3A_626 = arith.mulf %get3A_625, %gather3A_567 : vector<16xf32>
        %swap3A_627 = arith.index_cast %add3A_571 : i32 to index
        %swap3A_628 = arith.constant 80 : index
        %swap3A_629 = tpu.vector_load %arg12[%swap3A_627, %swap3A_628] {strides = array<i32>} : memref<128x128xf32, #tpu.memory_space<vmem>>, vector<1x16xf32>,
        %swap3A_630 = vector.shape_cast %swap3A_629 : vector<1x16xf32> to vector<16xf32>
        %swap3A_631 = vector.shape_cast %mul3A_626 : vector<16xf32> to vector<1x16xf32>
        tpu.vector_store %arg12[%swap3A_627, %swap3A_628], %swap3A_631 {strides = array<i32>} : memref<128x128xf32, #tpu.memory_space<vmem>>, vector<1x16xf32>,
        %get3A_632 = arith.index_cast %add3A_571 : i32 to index
        %get3A_633 = arith.constant 96 : index
        %get3A_634 = tpu.vector_load %arg12[%get3A_632, %get3A_633] {strides = array<i32>} : memref<128x128xf32, #tpu.memory_space<vmem>>, vector<1x16xf32>,
        %get3A_635 = vector.shape_cast %get3A_634 : vector<1x16xf32> to vector<16xf32>
        %mul3A_636 = arith.mulf %get3A_635, %gather3A_567 : vector<16xf32>
        %swap3A_637 = arith.index_cast %add3A_571 : i32 to index
        %swap3A_638 = arith.constant 96 : index
        %swap3A_639 = tpu.vector_load %arg12[%swap3A_637, %swap3A_638] {strides = array<i32>} : memref<128x128xf32, #tpu.memory_space<vmem>>, vector<1x16xf32>,
        %swap3A_640 = vector.shape_cast %swap3A_639 : vector<1x16xf32> to vector<16xf32>
        %swap3A_641 = vector.shape_cast %mul3A_636 : vector<16xf32> to vector<1x16xf32>
        tpu.vector_store %arg12[%swap3A_637, %swap3A_638], %swap3A_641 {strides = array<i32>} : memref<128x128xf32, #tpu.memory_space<vmem>>, vector<1x16xf32>,
        %get3A_642 = arith.index_cast %add3A_571 : i32 to index
        %get3A_643 = arith.constant 112 : index
        %get3A_644 = tpu.vector_load %arg12[%get3A_642, %get3A_643] {strides = array<i32>} : memref<128x128xf32, #tpu.memory_space<vmem>>, vector<1x16xf32>,
        %get3A_645 = vector.shape_cast %get3A_644 : vector<1x16xf32> to vector<16xf32>
        %mul3A_646 = arith.mulf %get3A_645, %gather3A_567 : vector<16xf32>
        %swap3A_647 = arith.index_cast %add3A_571 : i32 to index
        %swap3A_648 = arith.constant 112 : index
        %swap3A_649 = tpu.vector_load %arg12[%swap3A_647, %swap3A_648] {strides = array<i32>} : memref<128x128xf32, #tpu.memory_space<vmem>>, vector<1x16xf32>,
        %swap3A_650 = vector.shape_cast %swap3A_649 : vector<1x16xf32> to vector<16xf32>
        %swap3A_651 = vector.shape_cast %mul3A_646 : vector<16xf32> to vector<1x16xf32>
        tpu.vector_store %arg12[%swap3A_647, %swap3A_648], %swap3A_651 {strides = array<i32>} : memref<128x128xf32, #tpu.memory_space<vmem>>, vector<1x16xf32>,
        %broadcast_in_dim3A_652 = arith.constant 7 : i32
        %broadcast_in_dim3A_653 = vector.broadcast %broadcast_in_dim3A_652 : i32 to vector<16x1xi32>
        %gather3A_654 = vector.shape_cast %broadcast_in_dim3A_653 : vector<16x1xi32> to vector<16xi32>
        %gather3A_655 = tpu.dynamic_gather %get3A_38[%gather3A_654] in [0] : vector<16xf32>, vector<16xi32> -> vector<16xf32>
        %mul3A_656 = arith.constant 16 : i32
        %mul3A_657 = arith.muli %scan3A_33, %mul3A_656 : i32
        %add3A_658 = arith.constant 7 : i32
        %add3A_659 = arith.addi %mul3A_657, %add3A_658 : i32
        %get3A_660 = arith.index_cast %add3A_659 : i32 to index
        %get3A_661 = arith.constant 0 : index
        %get3A_662 = tpu.vector_load %arg12[%get3A_660, %get3A_661] {strides = array<i32>} : memref<128x128xf32, #tpu.memory_space<vmem>>, vector<1x16xf32>,
        %get3A_663 = vector.shape_cast %get3A_662 : vector<1x16xf32> to vector<16xf32>
        %mul3A_664 = arith.mulf %get3A_663, %gather3A_655 : vector<16xf32>
        %swap3A_665 = arith.index_cast %add3A_659 : i32 to index
        %swap3A_666 = arith.constant 0 : index
        %swap3A_667 = tpu.vector_load %arg12[%swap3A_665, %swap3A_666] {strides = array<i32>} : memref<128x128xf32, #tpu.memory_space<vmem>>, vector<1x16xf32>,
        %swap3A_668 = vector.shape_cast %swap3A_667 : vector<1x16xf32> to vector<16xf32>
        %swap3A_669 = vector.shape_cast %mul3A_664 : vector<16xf32> to vector<1x16xf32>
        tpu.vector_store %arg12[%swap3A_665, %swap3A_666], %swap3A_669 {strides = array<i32>} : memref<128x128xf32, #tpu.memory_space<vmem>>, vector<1x16xf32>,
        %get3A_670 = arith.index_cast %add3A_659 : i32 to index
        %get3A_671 = arith.constant 16 : index
        %get3A_672 = tpu.vector_load %arg12[%get3A_670, %get3A_671] {strides = array<i32>} : memref<128x128xf32, #tpu.memory_space<vmem>>, vector<1x16xf32>,
        %get3A_673 = vector.shape_cast %get3A_672 : vector<1x16xf32> to vector<16xf32>
        %mul3A_674 = arith.mulf %get3A_673, %gather3A_655 : vector<16xf32>
        %swap3A_675 = arith.index_cast %add3A_659 : i32 to index
        %swap3A_676 = arith.constant 16 : index
        %swap3A_677 = tpu.vector_load %arg12[%swap3A_675, %swap3A_676] {strides = array<i32>} : memref<128x128xf32, #tpu.memory_space<vmem>>, vector<1x16xf32>,
        %swap3A_678 = vector.shape_cast %swap3A_677 : vector<1x16xf32> to vector<16xf32>
        %swap3A_679 = vector.shape_cast %mul3A_674 : vector<16xf32> to vector<1x16xf32>
        tpu.vector_store %arg12[%swap3A_675, %swap3A_676], %swap3A_679 {strides = array<i32>} : memref<128x128xf32, #tpu.memory_space<vmem>>, vector<1x16xf32>,
        %get3A_680 = arith.index_cast %add3A_659 : i32 to index
        %get3A_681 = arith.constant 32 : index
        %get3A_682 = tpu.vector_load %arg12[%get3A_680, %get3A_681] {strides = array<i32>} : memref<128x128xf32, #tpu.memory_space<vmem>>, vector<1x16xf32>,
        %get3A_683 = vector.shape_cast %get3A_682 : vector<1x16xf32> to vector<16xf32>
        %mul3A_684 = arith.mulf %get3A_683, %gather3A_655 : vector<16xf32>
        %swap3A_685 = arith.index_cast %add3A_659 : i32 to index
        %swap3A_686 = arith.constant 32 : index
        %swap3A_687 = tpu.vector_load %arg12[%swap3A_685, %swap3A_686] {strides = array<i32>} : memref<128x128xf32, #tpu.memory_space<vmem>>, vector<1x16xf32>,
        %swap3A_688 = vector.shape_cast %swap3A_687 : vector<1x16xf32> to vector<16xf32>
        %swap3A_689 = vector.shape_cast %mul3A_684 : vector<16xf32> to vector<1x16xf32>
        tpu.vector_store %arg12[%swap3A_685, %swap3A_686], %swap3A_689 {strides = array<i32>} : memref<128x128xf32, #tpu.memory_space<vmem>>, vector<1x16xf32>,
        %get3A_690 = arith.index_cast %add3A_659 : i32 to index
        %get3A_691 = arith.constant 48 : index
        %get3A_692 = tpu.vector_load %arg12[%get3A_690, %get3A_691] {strides = array<i32>} : memref<128x128xf32, #tpu.memory_space<vmem>>, vector<1x16xf32>,
        %get3A_693 = vector.shape_cast %get3A_692 : vector<1x16xf32> to vector<16xf32>
        %mul3A_694 = arith.mulf %get3A_693, %gather3A_655 : vector<16xf32>
        %swap3A_695 = arith.index_cast %add3A_659 : i32 to index
        %swap3A_696 = arith.constant 48 : index
        %swap3A_697 = tpu.vector_load %arg12[%swap3A_695, %swap3A_696] {strides = array<i32>} : memref<128x128xf32, #tpu.memory_space<vmem>>, vector<1x16xf32>,
        %swap3A_698 = vector.shape_cast %swap3A_697 : vector<1x16xf32> to vector<16xf32>
        %swap3A_699 = vector.shape_cast %mul3A_694 : vector<16xf32> to vector<1x16xf32>
        tpu.vector_store %arg12[%swap3A_695, %swap3A_696], %swap3A_699 {strides = array<i32>} : memref<128x128xf32, #tpu.memory_space<vmem>>, vector<1x16xf32>,
        %get3A_700 = arith.index_cast %add3A_659 : i32 to index
        %get3A_701 = arith.constant 64 : index
        %get3A_702 = tpu.vector_load %arg12[%get3A_700, %get3A_701] {strides = array<i32>} : memref<128x128xf32, #tpu.memory_space<vmem>>, vector<1x16xf32>,
        %get3A_703 = vector.shape_cast %get3A_702 : vector<1x16xf32> to vector<16xf32>
        %mul3A_704 = arith.mulf %get3A_703, %gather3A_655 : vector<16xf32>
        %swap3A_705 = arith.index_cast %add3A_659 : i32 to index
        %swap3A_706 = arith.constant 64 : index
        %swap3A_707 = tpu.vector_load %arg12[%swap3A_705, %swap3A_706] {strides = array<i32>} : memref<128x128xf32, #tpu.memory_space<vmem>>, vector<1x16xf32>,
        %swap3A_708 = vector.shape_cast %swap3A_707 : vector<1x16xf32> to vector<16xf32>
        %swap3A_709 = vector.shape_cast %mul3A_704 : vector<16xf32> to vector<1x16xf32>
        tpu.vector_store %arg12[%swap3A_705, %swap3A_706], %swap3A_709 {strides = array<i32>} : memref<128x128xf32, #tpu.memory_space<vmem>>, vector<1x16xf32>,
        %get3A_710 = arith.index_cast %add3A_659 : i32 to index
        %get3A_711 = arith.constant 80 : index
        %get3A_712 = tpu.vector_load %arg12[%get3A_710, %get3A_711] {strides = array<i32>} : memref<128x128xf32, #tpu.memory_space<vmem>>, vector<1x16xf32>,
        %get3A_713 = vector.shape_cast %get3A_712 : vector<1x16xf32> to vector<16xf32>
        %mul3A_714 = arith.mulf %get3A_713, %gather3A_655 : vector<16xf32>
        %swap3A_715 = arith.index_cast %add3A_659 : i32 to index
        %swap3A_716 = arith.constant 80 : index
        %swap3A_717 = tpu.vector_load %arg12[%swap3A_715, %swap3A_716] {strides = array<i32>} : memref<128x128xf32, #tpu.memory_space<vmem>>, vector<1x16xf32>,
        %swap3A_718 = vector.shape_cast %swap3A_717 : vector<1x16xf32> to vector<16xf32>
        %swap3A_719 = vector.shape_cast %mul3A_714 : vector<16xf32> to vector<1x16xf32>
        tpu.vector_store %arg12[%swap3A_715, %swap3A_716], %swap3A_719 {strides = array<i32>} : memref<128x128xf32, #tpu.memory_space<vmem>>, vector<1x16xf32>,
        %get3A_720 = arith.index_cast %add3A_659 : i32 to index
        %get3A_721 = arith.constant 96 : index
        %get3A_722 = tpu.vector_load %arg12[%get3A_720, %get3A_721] {strides = array<i32>} : memref<128x128xf32, #tpu.memory_space<vmem>>, vector<1x16xf32>,
        %get3A_723 = vector.shape_cast %get3A_722 : vector<1x16xf32> to vector<16xf32>
        %mul3A_724 = arith.mulf %get3A_723, %gather3A_655 : vector<16xf32>
        %swap3A_725 = arith.index_cast %add3A_659 : i32 to index
        %swap3A_726 = arith.constant 96 : index
        %swap3A_727 = tpu.vector_load %arg12[%swap3A_725, %swap3A_726] {strides = array<i32>} : memref<128x128xf32, #tpu.memory_space<vmem>>, vector<1x16xf32>,
        %swap3A_728 = vector.shape_cast %swap3A_727 : vector<1x16xf32> to vector<16xf32>
        %swap3A_729 = vector.shape_cast %mul3A_724 : vector<16xf32> to vector<1x16xf32>
        tpu.vector_store %arg12[%swap3A_725, %swap3A_726], %swap3A_729 {strides = array<i32>} : memref<128x128xf32, #tpu.memory_space<vmem>>, vector<1x16xf32>,
        %get3A_730 = arith.index_cast %add3A_659 : i32 to index
        %get3A_731 = arith.constant 112 : index
        %get3A_732 = tpu.vector_load %arg12[%get3A_730, %get3A_731] {strides = array<i32>} : memref<128x128xf32, #tpu.memory_space<vmem>>, vector<1x16xf32>,
        %get3A_733 = vector.shape_cast %get3A_732 : vector<1x16xf32> to vector<16xf32>
        %mul3A_734 = arith.mulf %get3A_733, %gather3A_655 : vector<16xf32>
        %swap3A_735 = arith.index_cast %add3A_659 : i32 to index
        %swap3A_736 = arith.constant 112 : index
        %swap3A_737 = tpu.vector_load %arg12[%swap3A_735, %swap3A_736] {strides = array<i32>} : memref<128x128xf32, #tpu.memory_space<vmem>>, vector<1x16xf32>,
        %swap3A_738 = vector.shape_cast %swap3A_737 : vector<1x16xf32> to vector<16xf32>
        %swap3A_739 = vector.shape_cast %mul3A_734 : vector<16xf32> to vector<1x16xf32>
        tpu.vector_store %arg12[%swap3A_735, %swap3A_736], %swap3A_739 {strides = array<i32>} : memref<128x128xf32, #tpu.memory_space<vmem>>, vector<1x16xf32>,
        %broadcast_in_dim3A_740 = arith.constant 8 : i32
        %broadcast_in_dim3A_741 = vector.broadcast %broadcast_in_dim3A_740 : i32 to vector<16x1xi32>
        %gather3A_742 = vector.shape_cast %broadcast_in_dim3A_741 : vector<16x1xi32> to vector<16xi32>
        %gather3A_743 = tpu.dynamic_gather %get3A_38[%gather3A_742] in [0] : vector<16xf32>, vector<16xi32> -> vector<16xf32>
        %mul3A_744 = arith.constant 16 : i32
        %mul3A_745 = arith.muli %scan3A_33, %mul3A_744 : i32
        %add3A_746 = arith.constant 8 : i32
        %add3A_747 = arith.addi %mul3A_745, %add3A_746 : i32
        %get3A_748 = arith.index_cast %add3A_747 : i32 to index
        %get3A_749 = arith.constant 0 : index
        %get3A_750 = tpu.vector_load %arg12[%get3A_748, %get3A_749] {strides = array<i32>} : memref<128x128xf32, #tpu.memory_space<vmem>>, vector<1x16xf32>,
        %get3A_751 = vector.shape_cast %get3A_750 : vector<1x16xf32> to vector<16xf32>
        %mul3A_752 = arith.mulf %get3A_751, %gather3A_743 : vector<16xf32>
        %swap3A_753 = arith.index_cast %add3A_747 : i32 to index
        %swap3A_754 = arith.constant 0 : index
        %swap3A_755 = tpu.vector_load %arg12[%swap3A_753, %swap3A_754] {strides = array<i32>} : memref<128x128xf32, #tpu.memory_space<vmem>>, vector<1x16xf32>,
        %swap3A_756 = vector.shape_cast %swap3A_755 : vector<1x16xf32> to vector<16xf32>
        %swap3A_757 = vector.shape_cast %mul3A_752 : vector<16xf32> to vector<1x16xf32>
        tpu.vector_store %arg12[%swap3A_753, %swap3A_754], %swap3A_757 {strides = array<i32>} : memref<128x128xf32, #tpu.memory_space<vmem>>, vector<1x16xf32>,
        %get3A_758 = arith.index_cast %add3A_747 : i32 to index
        %get3A_759 = arith.constant 16 : index
        %get3A_760 = tpu.vector_load %arg12[%get3A_758, %get3A_759] {strides = array<i32>} : memref<128x128xf32, #tpu.memory_space<vmem>>, vector<1x16xf32>,
        %get3A_761 = vector.shape_cast %get3A_760 : vector<1x16xf32> to vector<16xf32>
        %mul3A_762 = arith.mulf %get3A_761, %gather3A_743 : vector<16xf32>
        %swap3A_763 = arith.index_cast %add3A_747 : i32 to index
        %swap3A_764 = arith.constant 16 : index
        %swap3A_765 = tpu.vector_load %arg12[%swap3A_763, %swap3A_764] {strides = array<i32>} : memref<128x128xf32, #tpu.memory_space<vmem>>, vector<1x16xf32>,
        %swap3A_766 = vector.shape_cast %swap3A_765 : vector<1x16xf32> to vector<16xf32>
        %swap3A_767 = vector.shape_cast %mul3A_762 : vector<16xf32> to vector<1x16xf32>
        tpu.vector_store %arg12[%swap3A_763, %swap3A_764], %swap3A_767 {strides = array<i32>} : memref<128x128xf32, #tpu.memory_space<vmem>>, vector<1x16xf32>,
        %get3A_768 = arith.index_cast %add3A_747 : i32 to index
        %get3A_769 = arith.constant 32 : index
        %get3A_770 = tpu.vector_load %arg12[%get3A_768, %get3A_769] {strides = array<i32>} : memref<128x128xf32, #tpu.memory_space<vmem>>, vector<1x16xf32>,
        %get3A_771 = vector.shape_cast %get3A_770 : vector<1x16xf32> to vector<16xf32>
        %mul3A_772 = arith.mulf %get3A_771, %gather3A_743 : vector<16xf32>
        %swap3A_773 = arith.index_cast %add3A_747 : i32 to index
        %swap3A_774 = arith.constant 32 : index
        %swap3A_775 = tpu.vector_load %arg12[%swap3A_773, %swap3A_774] {strides = array<i32>} : memref<128x128xf32, #tpu.memory_space<vmem>>, vector<1x16xf32>,
        %swap3A_776 = vector.shape_cast %swap3A_775 : vector<1x16xf32> to vector<16xf32>
        %swap3A_777 = vector.shape_cast %mul3A_772 : vector<16xf32> to vector<1x16xf32>
        tpu.vector_store %arg12[%swap3A_773, %swap3A_774], %swap3A_777 {strides = array<i32>} : memref<128x128xf32, #tpu.memory_space<vmem>>, vector<1x16xf32>,
        %get3A_778 = arith.index_cast %add3A_747 : i32 to index
        %get3A_779 = arith.constant 48 : index
        %get3A_780 = tpu.vector_load %arg12[%get3A_778, %get3A_779] {strides = array<i32>} : memref<128x128xf32, #tpu.memory_space<vmem>>, vector<1x16xf32>,
        %get3A_781 = vector.shape_cast %get3A_780 : vector<1x16xf32> to vector<16xf32>
        %mul3A_782 = arith.mulf %get3A_781, %gather3A_743 : vector<16xf32>
        %swap3A_783 = arith.index_cast %add3A_747 : i32 to index
        %swap3A_784 = arith.constant 48 : index
        %swap3A_785 = tpu.vector_load %arg12[%swap3A_783, %swap3A_784] {strides = array<i32>} : memref<128x128xf32, #tpu.memory_space<vmem>>, vector<1x16xf32>,
        %swap3A_786 = vector.shape_cast %swap3A_785 : vector<1x16xf32> to vector<16xf32>
        %swap3A_787 = vector.shape_cast %mul3A_782 : vector<16xf32> to vector<1x16xf32>
        tpu.vector_store %arg12[%swap3A_783, %swap3A_784], %swap3A_787 {strides = array<i32>} : memref<128x128xf32, #tpu.memory_space<vmem>>, vector<1x16xf32>,
        %get3A_788 = arith.index_cast %add3A_747 : i32 to index
        %get3A_789 = arith.constant 64 : index
        %get3A_790 = tpu.vector_load %arg12[%get3A_788, %get3A_789] {strides = array<i32>} : memref<128x128xf32, #tpu.memory_space<vmem>>, vector<1x16xf32>,
        %get3A_791 = vector.shape_cast %get3A_790 : vector<1x16xf32> to vector<16xf32>
        %mul3A_792 = arith.mulf %get3A_791, %gather3A_743 : vector<16xf32>
        %swap3A_793 = arith.index_cast %add3A_747 : i32 to index
        %swap3A_794 = arith.constant 64 : index
        %swap3A_795 = tpu.vector_load %arg12[%swap3A_793, %swap3A_794] {strides = array<i32>} : memref<128x128xf32, #tpu.memory_space<vmem>>, vector<1x16xf32>,
        %swap3A_796 = vector.shape_cast %swap3A_795 : vector<1x16xf32> to vector<16xf32>
        %swap3A_797 = vector.shape_cast %mul3A_792 : vector<16xf32> to vector<1x16xf32>
        tpu.vector_store %arg12[%swap3A_793, %swap3A_794], %swap3A_797 {strides = array<i32>} : memref<128x128xf32, #tpu.memory_space<vmem>>, vector<1x16xf32>,
        %get3A_798 = arith.index_cast %add3A_747 : i32 to index
        %get3A_799 = arith.constant 80 : index
        %get3A_800 = tpu.vector_load %arg12[%get3A_798, %get3A_799] {strides = array<i32>} : memref<128x128xf32, #tpu.memory_space<vmem>>, vector<1x16xf32>,
        %get3A_801 = vector.shape_cast %get3A_800 : vector<1x16xf32> to vector<16xf32>
        %mul3A_802 = arith.mulf %get3A_801, %gather3A_743 : vector<16xf32>
        %swap3A_803 = arith.index_cast %add3A_747 : i32 to index
        %swap3A_804 = arith.constant 80 : index
        %swap3A_805 = tpu.vector_load %arg12[%swap3A_803, %swap3A_804] {strides = array<i32>} : memref<128x128xf32, #tpu.memory_space<vmem>>, vector<1x16xf32>,
        %swap3A_806 = vector.shape_cast %swap3A_805 : vector<1x16xf32> to vector<16xf32>
        %swap3A_807 = vector.shape_cast %mul3A_802 : vector<16xf32> to vector<1x16xf32>
        tpu.vector_store %arg12[%swap3A_803, %swap3A_804], %swap3A_807 {strides = array<i32>} : memref<128x128xf32, #tpu.memory_space<vmem>>, vector<1x16xf32>,
        %get3A_808 = arith.index_cast %add3A_747 : i32 to index
        %get3A_809 = arith.constant 96 : index
        %get3A_810 = tpu.vector_load %arg12[%get3A_808, %get3A_809] {strides = array<i32>} : memref<128x128xf32, #tpu.memory_space<vmem>>, vector<1x16xf32>,
        %get3A_811 = vector.shape_cast %get3A_810 : vector<1x16xf32> to vector<16xf32>
        %mul3A_812 = arith.mulf %get3A_811, %gather3A_743 : vector<16xf32>
        %swap3A_813 = arith.index_cast %add3A_747 : i32 to index
        %swap3A_814 = arith.constant 96 : index
        %swap3A_815 = tpu.vector_load %arg12[%swap3A_813, %swap3A_814] {strides = array<i32>} : memref<128x128xf32, #tpu.memory_space<vmem>>, vector<1x16xf32>,
        %swap3A_816 = vector.shape_cast %swap3A_815 : vector<1x16xf32> to vector<16xf32>
        %swap3A_817 = vector.shape_cast %mul3A_812 : vector<16xf32> to vector<1x16xf32>
        tpu.vector_store %arg12[%swap3A_813, %swap3A_814], %swap3A_817 {strides = array<i32>} : memref<128x128xf32, #tpu.memory_space<vmem>>, vector<1x16xf32>,
        %get3A_818 = arith.index_cast %add3A_747 : i32 to index
        %get3A_819 = arith.constant 112 : index
        %get3A_820 = tpu.vector_load %arg12[%get3A_818, %get3A_819] {strides = array<i32>} : memref<128x128xf32, #tpu.memory_space<vmem>>, vector<1x16xf32>,
        %get3A_821 = vector.shape_cast %get3A_820 : vector<1x16xf32> to vector<16xf32>
        %mul3A_822 = arith.mulf %get3A_821, %gather3A_743 : vector<16xf32>
        %swap3A_823 = arith.index_cast %add3A_747 : i32 to index
        %swap3A_824 = arith.constant 112 : index
        %swap3A_825 = tpu.vector_load %arg12[%swap3A_823, %swap3A_824] {strides = array<i32>} : memref<128x128xf32, #tpu.memory_space<vmem>>, vector<1x16xf32>,
        %swap3A_826 = vector.shape_cast %swap3A_825 : vector<1x16xf32> to vector<16xf32>
        %swap3A_827 = vector.shape_cast %mul3A_822 : vector<16xf32> to vector<1x16xf32>
        tpu.vector_store %arg12[%swap3A_823, %swap3A_824], %swap3A_827 {strides = array<i32>} : memref<128x128xf32, #tpu.memory_space<vmem>>, vector<1x16xf32>,
        %broadcast_in_dim3A_828 = arith.constant 9 : i32
        %broadcast_in_dim3A_829 = vector.broadcast %broadcast_in_dim3A_828 : i32 to vector<16x1xi32>
        %gather3A_830 = vector.shape_cast %broadcast_in_dim3A_829 : vector<16x1xi32> to vector<16xi32>
        %gather3A_831 = tpu.dynamic_gather %get3A_38[%gather3A_830] in [0] : vector<16xf32>, vector<16xi32> -> vector<16xf32>
        %mul3A_832 = arith.constant 16 : i32
        %mul3A_833 = arith.muli %scan3A_33, %mul3A_832 : i32
        %add3A_834 = arith.constant 9 : i32
        %add3A_835 = arith.addi %mul3A_833, %add3A_834 : i32
        %get3A_836 = arith.index_cast %add3A_835 : i32 to index
        %get3A_837 = arith.constant 0 : index
        %get3A_838 = tpu.vector_load %arg12[%get3A_836, %get3A_837] {strides = array<i32>} : memref<128x128xf32, #tpu.memory_space<vmem>>, vector<1x16xf32>,
        %get3A_839 = vector.shape_cast %get3A_838 : vector<1x16xf32> to vector<16xf32>
        %mul3A_840 = arith.mulf %get3A_839, %gather3A_831 : vector<16xf32>
        %swap3A_841 = arith.index_cast %add3A_835 : i32 to index
        %swap3A_842 = arith.constant 0 : index
        %swap3A_843 = tpu.vector_load %arg12[%swap3A_841, %swap3A_842] {strides = array<i32>} : memref<128x128xf32, #tpu.memory_space<vmem>>, vector<1x16xf32>,
        %swap3A_844 = vector.shape_cast %swap3A_843 : vector<1x16xf32> to vector<16xf32>
        %swap3A_845 = vector.shape_cast %mul3A_840 : vector<16xf32> to vector<1x16xf32>
        tpu.vector_store %arg12[%swap3A_841, %swap3A_842], %swap3A_845 {strides = array<i32>} : memref<128x128xf32, #tpu.memory_space<vmem>>, vector<1x16xf32>,
        %get3A_846 = arith.index_cast %add3A_835 : i32 to index
        %get3A_847 = arith.constant 16 : index
        %get3A_848 = tpu.vector_load %arg12[%get3A_846, %get3A_847] {strides = array<i32>} : memref<128x128xf32, #tpu.memory_space<vmem>>, vector<1x16xf32>,
        %get3A_849 = vector.shape_cast %get3A_848 : vector<1x16xf32> to vector<16xf32>
        %mul3A_850 = arith.mulf %get3A_849, %gather3A_831 : vector<16xf32>
        %swap3A_851 = arith.index_cast %add3A_835 : i32 to index
        %swap3A_852 = arith.constant 16 : index
        %swap3A_853 = tpu.vector_load %arg12[%swap3A_851, %swap3A_852] {strides = array<i32>} : memref<128x128xf32, #tpu.memory_space<vmem>>, vector<1x16xf32>,
        %swap3A_854 = vector.shape_cast %swap3A_853 : vector<1x16xf32> to vector<16xf32>
        %swap3A_855 = vector.shape_cast %mul3A_850 : vector<16xf32> to vector<1x16xf32>
        tpu.vector_store %arg12[%swap3A_851, %swap3A_852], %swap3A_855 {strides = array<i32>} : memref<128x128xf32, #tpu.memory_space<vmem>>, vector<1x16xf32>,
        %get3A_856 = arith.index_cast %add3A_835 : i32 to index
        %get3A_857 = arith.constant 32 : index
        %get3A_858 = tpu.vector_load %arg12[%get3A_856, %get3A_857] {strides = array<i32>} : memref<128x128xf32, #tpu.memory_space<vmem>>, vector<1x16xf32>,
        %get3A_859 = vector.shape_cast %get3A_858 : vector<1x16xf32> to vector<16xf32>
        %mul3A_860 = arith.mulf %get3A_859, %gather3A_831 : vector<16xf32>
        %swap3A_861 = arith.index_cast %add3A_835 : i32 to index
        %swap3A_862 = arith.constant 32 : index
        %swap3A_863 = tpu.vector_load %arg12[%swap3A_861, %swap3A_862] {strides = array<i32>} : memref<128x128xf32, #tpu.memory_space<vmem>>, vector<1x16xf32>,
        %swap3A_864 = vector.shape_cast %swap3A_863 : vector<1x16xf32> to vector<16xf32>
        %swap3A_865 = vector.shape_cast %mul3A_860 : vector<16xf32> to vector<1x16xf32>
        tpu.vector_store %arg12[%swap3A_861, %swap3A_862], %swap3A_865 {strides = array<i32>} : memref<128x128xf32, #tpu.memory_space<vmem>>, vector<1x16xf32>,
        %get3A_866 = arith.index_cast %add3A_835 : i32 to index
        %get3A_867 = arith.constant 48 : index
        %get3A_868 = tpu.vector_load %arg12[%get3A_866, %get3A_867] {strides = array<i32>} : memref<128x128xf32, #tpu.memory_space<vmem>>, vector<1x16xf32>,
        %get3A_869 = vector.shape_cast %get3A_868 : vector<1x16xf32> to vector<16xf32>
        %mul3A_870 = arith.mulf %get3A_869, %gather3A_831 : vector<16xf32>
        %swap3A_871 = arith.index_cast %add3A_835 : i32 to index
        %swap3A_872 = arith.constant 48 : index
        %swap3A_873 = tpu.vector_load %arg12[%swap3A_871, %swap3A_872] {strides = array<i32>} : memref<128x128xf32, #tpu.memory_space<vmem>>, vector<1x16xf32>,
        %swap3A_874 = vector.shape_cast %swap3A_873 : vector<1x16xf32> to vector<16xf32>
        %swap3A_875 = vector.shape_cast %mul3A_870 : vector<16xf32> to vector<1x16xf32>
        tpu.vector_store %arg12[%swap3A_871, %swap3A_872], %swap3A_875 {strides = array<i32>} : memref<128x128xf32, #tpu.memory_space<vmem>>, vector<1x16xf32>,
        %get3A_876 = arith.index_cast %add3A_835 : i32 to index
        %get3A_877 = arith.constant 64 : index
        %get3A_878 = tpu.vector_load %arg12[%get3A_876, %get3A_877] {strides = array<i32>} : memref<128x128xf32, #tpu.memory_space<vmem>>, vector<1x16xf32>,
        %get3A_879 = vector.shape_cast %get3A_878 : vector<1x16xf32> to vector<16xf32>
        %mul3A_880 = arith.mulf %get3A_879, %gather3A_831 : vector<16xf32>
        %swap3A_881 = arith.index_cast %add3A_835 : i32 to index
        %swap3A_882 = arith.constant 64 : index
        %swap3A_883 = tpu.vector_load %arg12[%swap3A_881, %swap3A_882] {strides = array<i32>} : memref<128x128xf32, #tpu.memory_space<vmem>>, vector<1x16xf32>,
        %swap3A_884 = vector.shape_cast %swap3A_883 : vector<1x16xf32> to vector<16xf32>
        %swap3A_885 = vector.shape_cast %mul3A_880 : vector<16xf32> to vector<1x16xf32>
        tpu.vector_store %arg12[%swap3A_881, %swap3A_882], %swap3A_885 {strides = array<i32>} : memref<128x128xf32, #tpu.memory_space<vmem>>, vector<1x16xf32>,
        %get3A_886 = arith.index_cast %add3A_835 : i32 to index
        %get3A_887 = arith.constant 80 : index
        %get3A_888 = tpu.vector_load %arg12[%get3A_886, %get3A_887] {strides = array<i32>} : memref<128x128xf32, #tpu.memory_space<vmem>>, vector<1x16xf32>,
        %get3A_889 = vector.shape_cast %get3A_888 : vector<1x16xf32> to vector<16xf32>
        %mul3A_890 = arith.mulf %get3A_889, %gather3A_831 : vector<16xf32>
        %swap3A_891 = arith.index_cast %add3A_835 : i32 to index
        %swap3A_892 = arith.constant 80 : index
        %swap3A_893 = tpu.vector_load %arg12[%swap3A_891, %swap3A_892] {strides = array<i32>} : memref<128x128xf32, #tpu.memory_space<vmem>>, vector<1x16xf32>,
        %swap3A_894 = vector.shape_cast %swap3A_893 : vector<1x16xf32> to vector<16xf32>
        %swap3A_895 = vector.shape_cast %mul3A_890 : vector<16xf32> to vector<1x16xf32>
        tpu.vector_store %arg12[%swap3A_891, %swap3A_892], %swap3A_895 {strides = array<i32>} : memref<128x128xf32, #tpu.memory_space<vmem>>, vector<1x16xf32>,
        %get3A_896 = arith.index_cast %add3A_835 : i32 to index
        %get3A_897 = arith.constant 96 : index
        %get3A_898 = tpu.vector_load %arg12[%get3A_896, %get3A_897] {strides = array<i32>} : memref<128x128xf32, #tpu.memory_space<vmem>>, vector<1x16xf32>,
        %get3A_899 = vector.shape_cast %get3A_898 : vector<1x16xf32> to vector<16xf32>
        %mul3A_900 = arith.mulf %get3A_899, %gather3A_831 : vector<16xf32>
        %swap3A_901 = arith.index_cast %add3A_835 : i32 to index
        %swap3A_902 = arith.constant 96 : index
        %swap3A_903 = tpu.vector_load %arg12[%swap3A_901, %swap3A_902] {strides = array<i32>} : memref<128x128xf32, #tpu.memory_space<vmem>>, vector<1x16xf32>,
        %swap3A_904 = vector.shape_cast %swap3A_903 : vector<1x16xf32> to vector<16xf32>
        %swap3A_905 = vector.shape_cast %mul3A_900 : vector<16xf32> to vector<1x16xf32>
        tpu.vector_store %arg12[%swap3A_901, %swap3A_902], %swap3A_905 {strides = array<i32>} : memref<128x128xf32, #tpu.memory_space<vmem>>, vector<1x16xf32>,
        %get3A_906 = arith.index_cast %add3A_835 : i32 to index
        %get3A_907 = arith.constant 112 : index
        %get3A_908 = tpu.vector_load %arg12[%get3A_906, %get3A_907] {strides = array<i32>} : memref<128x128xf32, #tpu.memory_space<vmem>>, vector<1x16xf32>,
        %get3A_909 = vector.shape_cast %get3A_908 : vector<1x16xf32> to vector<16xf32>
        %mul3A_910 = arith.mulf %get3A_909, %gather3A_831 : vector<16xf32>
        %swap3A_911 = arith.index_cast %add3A_835 : i32 to index
        %swap3A_912 = arith.constant 112 : index
        %swap3A_913 = tpu.vector_load %arg12[%swap3A_911, %swap3A_912] {strides = array<i32>} : memref<128x128xf32, #tpu.memory_space<vmem>>, vector<1x16xf32>,
        %swap3A_914 = vector.shape_cast %swap3A_913 : vector<1x16xf32> to vector<16xf32>
        %swap3A_915 = vector.shape_cast %mul3A_910 : vector<16xf32> to vector<1x16xf32>
        tpu.vector_store %arg12[%swap3A_911, %swap3A_912], %swap3A_915 {strides = array<i32>} : memref<128x128xf32, #tpu.memory_space<vmem>>, vector<1x16xf32>,
        %broadcast_in_dim3A_916 = arith.constant 10 : i32
        %broadcast_in_dim3A_917 = vector.broadcast %broadcast_in_dim3A_916 : i32 to vector<16x1xi32>
        %gather3A_918 = vector.shape_cast %broadcast_in_dim3A_917 : vector<16x1xi32> to vector<16xi32>
        %gather3A_919 = tpu.dynamic_gather %get3A_38[%gather3A_918] in [0] : vector<16xf32>, vector<16xi32> -> vector<16xf32>
        %mul3A_920 = arith.constant 16 : i32
        %mul3A_921 = arith.muli %scan3A_33, %mul3A_920 : i32
        %add3A_922 = arith.constant 10 : i32
        %add3A_923 = arith.addi %mul3A_921, %add3A_922 : i32
        %get3A_924 = arith.index_cast %add3A_923 : i32 to index
        %get3A_925 = arith.constant 0 : index
        %get3A_926 = tpu.vector_load %arg12[%get3A_924, %get3A_925] {strides = array<i32>} : memref<128x128xf32, #tpu.memory_space<vmem>>, vector<1x16xf32>,
        %get3A_927 = vector.shape_cast %get3A_926 : vector<1x16xf32> to vector<16xf32>
        %mul3A_928 = arith.mulf %get3A_927, %gather3A_919 : vector<16xf32>
        %swap3A_929 = arith.index_cast %add3A_923 : i32 to index
        %swap3A_930 = arith.constant 0 : index
        %swap3A_931 = tpu.vector_load %arg12[%swap3A_929, %swap3A_930] {strides = array<i32>} : memref<128x128xf32, #tpu.memory_space<vmem>>, vector<1x16xf32>,
        %swap3A_932 = vector.shape_cast %swap3A_931 : vector<1x16xf32> to vector<16xf32>
        %swap3A_933 = vector.shape_cast %mul3A_928 : vector<16xf32> to vector<1x16xf32>
        tpu.vector_store %arg12[%swap3A_929, %swap3A_930], %swap3A_933 {strides = array<i32>} : memref<128x128xf32, #tpu.memory_space<vmem>>, vector<1x16xf32>,
        %get3A_934 = arith.index_cast %add3A_923 : i32 to index
        %get3A_935 = arith.constant 16 : index
        %get3A_936 = tpu.vector_load %arg12[%get3A_934, %get3A_935] {strides = array<i32>} : memref<128x128xf32, #tpu.memory_space<vmem>>, vector<1x16xf32>,
        %get3A_937 = vector.shape_cast %get3A_936 : vector<1x16xf32> to vector<16xf32>
        %mul3A_938 = arith.mulf %get3A_937, %gather3A_919 : vector<16xf32>
        %swap3A_939 = arith.index_cast %add3A_923 : i32 to index
        %swap3A_940 = arith.constant 16 : index
        %swap3A_941 = tpu.vector_load %arg12[%swap3A_939, %swap3A_940] {strides = array<i32>} : memref<128x128xf32, #tpu.memory_space<vmem>>, vector<1x16xf32>,
        %swap3A_942 = vector.shape_cast %swap3A_941 : vector<1x16xf32> to vector<16xf32>
        %swap3A_943 = vector.shape_cast %mul3A_938 : vector<16xf32> to vector<1x16xf32>
        tpu.vector_store %arg12[%swap3A_939, %swap3A_940], %swap3A_943 {strides = array<i32>} : memref<128x128xf32, #tpu.memory_space<vmem>>, vector<1x16xf32>,
        %get3A_944 = arith.index_cast %add3A_923 : i32 to index
        %get3A_945 = arith.constant 32 : index
        %get3A_946 = tpu.vector_load %arg12[%get3A_944, %get3A_945] {strides = array<i32>} : memref<128x128xf32, #tpu.memory_space<vmem>>, vector<1x16xf32>,
        %get3A_947 = vector.shape_cast %get3A_946 : vector<1x16xf32> to vector<16xf32>
        %mul3A_948 = arith.mulf %get3A_947, %gather3A_919 : vector<16xf32>
        %swap3A_949 = arith.index_cast %add3A_923 : i32 to index
        %swap3A_950 = arith.constant 32 : index
        %swap3A_951 = tpu.vector_load %arg12[%swap3A_949, %swap3A_950] {strides = array<i32>} : memref<128x128xf32, #tpu.memory_space<vmem>>, vector<1x16xf32>,
        %swap3A_952 = vector.shape_cast %swap3A_951 : vector<1x16xf32> to vector<16xf32>
        %swap3A_953 = vector.shape_cast %mul3A_948 : vector<16xf32> to vector<1x16xf32>
        tpu.vector_store %arg12[%swap3A_949, %swap3A_950], %swap3A_953 {strides = array<i32>} : memref<128x128xf32, #tpu.memory_space<vmem>>, vector<1x16xf32>,
        %get3A_954 = arith.index_cast %add3A_923 : i32 to index
        %get3A_955 = arith.constant 48 : index
        %get3A_956 = tpu.vector_load %arg12[%get3A_954, %get3A_955] {strides = array<i32>} : memref<128x128xf32, #tpu.memory_space<vmem>>, vector<1x16xf32>,
        %get3A_957 = vector.shape_cast %get3A_956 : vector<1x16xf32> to vector<16xf32>
        %mul3A_958 = arith.mulf %get3A_957, %gather3A_919 : vector<16xf32>
        %swap3A_959 = arith.index_cast %add3A_923 : i32 to index
        %swap3A_960 = arith.constant 48 : index
        %swap3A_961 = tpu.vector_load %arg12[%swap3A_959, %swap3A_960] {strides = array<i32>} : memref<128x128xf32, #tpu.memory_space<vmem>>, vector<1x16xf32>,
        %swap3A_962 = vector.shape_cast %swap3A_961 : vector<1x16xf32> to vector<16xf32>
        %swap3A_963 = vector.shape_cast %mul3A_958 : vector<16xf32> to vector<1x16xf32>
        tpu.vector_store %arg12[%swap3A_959, %swap3A_960], %swap3A_963 {strides = array<i32>} : memref<128x128xf32, #tpu.memory_space<vmem>>, vector<1x16xf32>,
        %get3A_964 = arith.index_cast %add3A_923 : i32 to index
        %get3A_965 = arith.constant 64 : index
        %get3A_966 = tpu.vector_load %arg12[%get3A_964, %get3A_965] {strides = array<i32>} : memref<128x128xf32, #tpu.memory_space<vmem>>, vector<1x16xf32>,
        %get3A_967 = vector.shape_cast %get3A_966 : vector<1x16xf32> to vector<16xf32>
        %mul3A_968 = arith.mulf %get3A_967, %gather3A_919 : vector<16xf32>
        %swap3A_969 = arith.index_cast %add3A_923 : i32 to index
        %swap3A_970 = arith.constant 64 : index
        %swap3A_971 = tpu.vector_load %arg12[%swap3A_969, %swap3A_970] {strides = array<i32>} : memref<128x128xf32, #tpu.memory_space<vmem>>, vector<1x16xf32>,
        %swap3A_972 = vector.shape_cast %swap3A_971 : vector<1x16xf32> to vector<16xf32>
        %swap3A_973 = vector.shape_cast %mul3A_968 : vector<16xf32> to vector<1x16xf32>
        tpu.vector_store %arg12[%swap3A_969, %swap3A_970], %swap3A_973 {strides = array<i32>} : memref<128x128xf32, #tpu.memory_space<vmem>>, vector<1x16xf32>,
        %get3A_974 = arith.index_cast %add3A_923 : i32 to index
        %get3A_975 = arith.constant 80 : index
        %get3A_976 = tpu.vector_load %arg12[%get3A_974, %get3A_975] {strides = array<i32>} : memref<128x128xf32, #tpu.memory_space<vmem>>, vector<1x16xf32>,
        %get3A_977 = vector.shape_cast %get3A_976 : vector<1x16xf32> to vector<16xf32>
        %mul3A_978 = arith.mulf %get3A_977, %gather3A_919 : vector<16xf32>
        %swap3A_979 = arith.index_cast %add3A_923 : i32 to index
        %swap3A_980 = arith.constant 80 : index
        %swap3A_981 = tpu.vector_load %arg12[%swap3A_979, %swap3A_980] {strides = array<i32>} : memref<128x128xf32, #tpu.memory_space<vmem>>, vector<1x16xf32>,
        %swap3A_982 = vector.shape_cast %swap3A_981 : vector<1x16xf32> to vector<16xf32>
        %swap3A_983 = vector.shape_cast %mul3A_978 : vector<16xf32> to vector<1x16xf32>
        tpu.vector_store %arg12[%swap3A_979, %swap3A_980], %swap3A_983 {strides = array<i32>} : memref<128x128xf32, #tpu.memory_space<vmem>>, vector<1x16xf32>,
        %get3A_984 = arith.index_cast %add3A_923 : i32 to index
        %get3A_985 = arith.constant 96 : index
        %get3A_986 = tpu.vector_load %arg12[%get3A_984, %get3A_985] {strides = array<i32>} : memref<128x128xf32, #tpu.memory_space<vmem>>, vector<1x16xf32>,
        %get3A_987 = vector.shape_cast %get3A_986 : vector<1x16xf32> to vector<16xf32>
        %mul3A_988 = arith.mulf %get3A_987, %gather3A_919 : vector<16xf32>
        %swap3A_989 = arith.index_cast %add3A_923 : i32 to index
        %swap3A_990 = arith.constant 96 : index
        %swap3A_991 = tpu.vector_load %arg12[%swap3A_989, %swap3A_990] {strides = array<i32>} : memref<128x128xf32, #tpu.memory_space<vmem>>, vector<1x16xf32>,
        %swap3A_992 = vector.shape_cast %swap3A_991 : vector<1x16xf32> to vector<16xf32>
        %swap3A_993 = vector.shape_cast %mul3A_988 : vector<16xf32> to vector<1x16xf32>
        tpu.vector_store %arg12[%swap3A_989, %swap3A_990], %swap3A_993 {strides = array<i32>} : memref<128x128xf32, #tpu.memory_space<vmem>>, vector<1x16xf32>,
        %get3A_994 = arith.index_cast %add3A_923 : i32 to index
        %get3A_995 = arith.constant 112 : index
        %get3A_996 = tpu.vector_load %arg12[%get3A_994, %get3A_995] {strides = array<i32>} : memref<128x128xf32, #tpu.memory_space<vmem>>, vector<1x16xf32>,
        %get3A_997 = vector.shape_cast %get3A_996 : vector<1x16xf32> to vector<16xf32>
        %mul3A_998 = arith.mulf %get3A_997, %gather3A_919 : vector<16xf32>
        %swap3A_999 = arith.index_cast %add3A_923 : i32 to index
        %swap3A_1000 = arith.constant 112 : index
        %swap3A_1001 = tpu.vector_load %arg12[%swap3A_999, %swap3A_1000] {strides = array<i32>} : memref<128x128xf32, #tpu.memory_space<vmem>>, vector<1x16xf32>,
        %swap3A_1002 = vector.shape_cast %swap3A_1001 : vector<1x16xf32> to vector<16xf32>
        %swap3A_1003 = vector.shape_cast %mul3A_998 : vector<16xf32> to vector<1x16xf32>
        tpu.vector_store %arg12[%swap3A_999, %swap3A_1000], %swap3A_1003 {strides = array<i32>} : memref<128x128xf32, #tpu.memory_space<vmem>>, vector<1x16xf32>,
        %broadcast_in_dim3A_1004 = arith.constant 11 : i32
        %broadcast_in_dim3A_1005 = vector.broadcast %broadcast_in_dim3A_1004 : i32 to vector<16x1xi32>
        %gather3A_1006 = vector.shape_cast %broadcast_in_dim3A_1005 : vector<16x1xi32> to vector<16xi32>
        %gather3A_1007 = tpu.dynamic_gather %get3A_38[%gather3A_1006] in [0] : vector<16xf32>, vector<16xi32> -> vector<16xf32>
        %mul3A_1008 = arith.constant 16 : i32
        %mul3A_1009 = arith.muli %scan3A_33, %mul3A_1008 : i32
        %add3A_1010 = arith.constant 11 : i32
        %add3A_1011 = arith.addi %mul3A_1009, %add3A_1010 : i32
        %get3A_1012 = arith.index_cast %add3A_1011 : i32 to index
        %get3A_1013 = arith.constant 0 : index
        %get3A_1014 = tpu.vector_load %arg12[%get3A_1012, %get3A_1013] {strides = array<i32>} : memref<128x128xf32, #tpu.memory_space<vmem>>, vector<1x16xf32>,
        %get3A_1015 = vector.shape_cast %get3A_1014 : vector<1x16xf32> to vector<16xf32>
        %mul3A_1016 = arith.mulf %get3A_1015, %gather3A_1007 : vector<16xf32>
        %swap3A_1017 = arith.index_cast %add3A_1011 : i32 to index
        %swap3A_1018 = arith.constant 0 : index
        %swap3A_1019 = tpu.vector_load %arg12[%swap3A_1017, %swap3A_1018] {strides = array<i32>} : memref<128x128xf32, #tpu.memory_space<vmem>>, vector<1x16xf32>,
        %swap3A_1020 = vector.shape_cast %swap3A_1019 : vector<1x16xf32> to vector<16xf32>
        %swap3A_1021 = vector.shape_cast %mul3A_1016 : vector<16xf32> to vector<1x16xf32>
        tpu.vector_store %arg12[%swap3A_1017, %swap3A_1018], %swap3A_1021 {strides = array<i32>} : memref<128x128xf32, #tpu.memory_space<vmem>>, vector<1x16xf32>,
        %get3A_1022 = arith.index_cast %add3A_1011 : i32 to index
        %get3A_1023 = arith.constant 16 : index
        %get3A_1024 = tpu.vector_load %arg12[%get3A_1022, %get3A_1023] {strides = array<i32>} : memref<128x128xf32, #tpu.memory_space<vmem>>, vector<1x16xf32>,
        %get3A_1025 = vector.shape_cast %get3A_1024 : vector<1x16xf32> to vector<16xf32>
        %mul3A_1026 = arith.mulf %get3A_1025, %gather3A_1007 : vector<16xf32>
        %swap3A_1027 = arith.index_cast %add3A_1011 : i32 to index
        %swap3A_1028 = arith.constant 16 : index
        %swap3A_1029 = tpu.vector_load %arg12[%swap3A_1027, %swap3A_1028] {strides = array<i32>} : memref<128x128xf32, #tpu.memory_space<vmem>>, vector<1x16xf32>,
        %swap3A_1030 = vector.shape_cast %swap3A_1029 : vector<1x16xf32> to vector<16xf32>
        %swap3A_1031 = vector.shape_cast %mul3A_1026 : vector<16xf32> to vector<1x16xf32>
        tpu.vector_store %arg12[%swap3A_1027, %swap3A_1028], %swap3A_1031 {strides = array<i32>} : memref<128x128xf32, #tpu.memory_space<vmem>>, vector<1x16xf32>,
        %get3A_1032 = arith.index_cast %add3A_1011 : i32 to index
        %get3A_1033 = arith.constant 32 : index
        %get3A_1034 = tpu.vector_load %arg12[%get3A_1032, %get3A_1033] {strides = array<i32>} : memref<128x128xf32, #tpu.memory_space<vmem>>, vector<1x16xf32>,
        %get3A_1035 = vector.shape_cast %get3A_1034 : vector<1x16xf32> to vector<16xf32>
        %mul3A_1036 = arith.mulf %get3A_1035, %gather3A_1007 : vector<16xf32>
        %swap3A_1037 = arith.index_cast %add3A_1011 : i32 to index
        %swap3A_1038 = arith.constant 32 : index
        %swap3A_1039 = tpu.vector_load %arg12[%swap3A_1037, %swap3A_1038] {strides = array<i32>} : memref<128x128xf32, #tpu.memory_space<vmem>>, vector<1x16xf32>,
        %swap3A_1040 = vector.shape_cast %swap3A_1039 : vector<1x16xf32> to vector<16xf32>
        %swap3A_1041 = vector.shape_cast %mul3A_1036 : vector<16xf32> to vector<1x16xf32>
        tpu.vector_store %arg12[%swap3A_1037, %swap3A_1038], %swap3A_1041 {strides = array<i32>} : memref<128x128xf32, #tpu.memory_space<vmem>>, vector<1x16xf32>,
        %get3A_1042 = arith.index_cast %add3A_1011 : i32 to index
        %get3A_1043 = arith.constant 48 : index
        %get3A_1044 = tpu.vector_load %arg12[%get3A_1042, %get3A_1043] {strides = array<i32>} : memref<128x128xf32, #tpu.memory_space<vmem>>, vector<1x16xf32>,
        %get3A_1045 = vector.shape_cast %get3A_1044 : vector<1x16xf32> to vector<16xf32>
        %mul3A_1046 = arith.mulf %get3A_1045, %gather3A_1007 : vector<16xf32>
        %swap3A_1047 = arith.index_cast %add3A_1011 : i32 to index
        %swap3A_1048 = arith.constant 48 : index
        %swap3A_1049 = tpu.vector_load %arg12[%swap3A_1047, %swap3A_1048] {strides = array<i32>} : memref<128x128xf32, #tpu.memory_space<vmem>>, vector<1x16xf32>,
        %swap3A_1050 = vector.shape_cast %swap3A_1049 : vector<1x16xf32> to vector<16xf32>
        %swap3A_1051 = vector.shape_cast %mul3A_1046 : vector<16xf32> to vector<1x16xf32>
        tpu.vector_store %arg12[%swap3A_1047, %swap3A_1048], %swap3A_1051 {strides = array<i32>} : memref<128x128xf32, #tpu.memory_space<vmem>>, vector<1x16xf32>,
        %get3A_1052 = arith.index_cast %add3A_1011 : i32 to index
        %get3A_1053 = arith.constant 64 : index
        %get3A_1054 = tpu.vector_load %arg12[%get3A_1052, %get3A_1053] {strides = array<i32>} : memref<128x128xf32, #tpu.memory_space<vmem>>, vector<1x16xf32>,
        %get3A_1055 = vector.shape_cast %get3A_1054 : vector<1x16xf32> to vector<16xf32>
        %mul3A_1056 = arith.mulf %get3A_1055, %gather3A_1007 : vector<16xf32>
        %swap3A_1057 = arith.index_cast %add3A_1011 : i32 to index
        %swap3A_1058 = arith.constant 64 : index
        %swap3A_1059 = tpu.vector_load %arg12[%swap3A_1057, %swap3A_1058] {strides = array<i32>} : memref<128x128xf32, #tpu.memory_space<vmem>>, vector<1x16xf32>,
        %swap3A_1060 = vector.shape_cast %swap3A_1059 : vector<1x16xf32> to vector<16xf32>
        %swap3A_1061 = vector.shape_cast %mul3A_1056 : vector<16xf32> to vector<1x16xf32>
        tpu.vector_store %arg12[%swap3A_1057, %swap3A_1058], %swap3A_1061 {strides = array<i32>} : memref<128x128xf32, #tpu.memory_space<vmem>>, vector<1x16xf32>,
        %get3A_1062 = arith.index_cast %add3A_1011 : i32 to index
        %get3A_1063 = arith.constant 80 : index
        %get3A_1064 = tpu.vector_load %arg12[%get3A_1062, %get3A_1063] {strides = array<i32>} : memref<128x128xf32, #tpu.memory_space<vmem>>, vector<1x16xf32>,
        %get3A_1065 = vector.shape_cast %get3A_1064 : vector<1x16xf32> to vector<16xf32>
        %mul3A_1066 = arith.mulf %get3A_1065, %gather3A_1007 : vector<16xf32>
        %swap3A_1067 = arith.index_cast %add3A_1011 : i32 to index
        %swap3A_1068 = arith.constant 80 : index
        %swap3A_1069 = tpu.vector_load %arg12[%swap3A_1067, %swap3A_1068] {strides = array<i32>} : memref<128x128xf32, #tpu.memory_space<vmem>>, vector<1x16xf32>,
        %swap3A_1070 = vector.shape_cast %swap3A_1069 : vector<1x16xf32> to vector<16xf32>
        %swap3A_1071 = vector.shape_cast %mul3A_1066 : vector<16xf32> to vector<1x16xf32>
        tpu.vector_store %arg12[%swap3A_1067, %swap3A_1068], %swap3A_1071 {strides = array<i32>} : memref<128x128xf32, #tpu.memory_space<vmem>>, vector<1x16xf32>,
        %get3A_1072 = arith.index_cast %add3A_1011 : i32 to index
        %get3A_1073 = arith.constant 96 : index
        %get3A_1074 = tpu.vector_load %arg12[%get3A_1072, %get3A_1073] {strides = array<i32>} : memref<128x128xf32, #tpu.memory_space<vmem>>, vector<1x16xf32>,
        %get3A_1075 = vector.shape_cast %get3A_1074 : vector<1x16xf32> to vector<16xf32>
        %mul3A_1076 = arith.mulf %get3A_1075, %gather3A_1007 : vector<16xf32>
        %swap3A_1077 = arith.index_cast %add3A_1011 : i32 to index
        %swap3A_1078 = arith.constant 96 : index
        %swap3A_1079 = tpu.vector_load %arg12[%swap3A_1077, %swap3A_1078] {strides = array<i32>} : memref<128x128xf32, #tpu.memory_space<vmem>>, vector<1x16xf32>,
        %swap3A_1080 = vector.shape_cast %swap3A_1079 : vector<1x16xf32> to vector<16xf32>
        %swap3A_1081 = vector.shape_cast %mul3A_1076 : vector<16xf32> to vector<1x16xf32>
        tpu.vector_store %arg12[%swap3A_1077, %swap3A_1078], %swap3A_1081 {strides = array<i32>} : memref<128x128xf32, #tpu.memory_space<vmem>>, vector<1x16xf32>,
        %get3A_1082 = arith.index_cast %add3A_1011 : i32 to index
        %get3A_1083 = arith.constant 112 : index
        %get3A_1084 = tpu.vector_load %arg12[%get3A_1082, %get3A_1083] {strides = array<i32>} : memref<128x128xf32, #tpu.memory_space<vmem>>, vector<1x16xf32>,
        %get3A_1085 = vector.shape_cast %get3A_1084 : vector<1x16xf32> to vector<16xf32>
        %mul3A_1086 = arith.mulf %get3A_1085, %gather3A_1007 : vector<16xf32>
        %swap3A_1087 = arith.index_cast %add3A_1011 : i32 to index
        %swap3A_1088 = arith.constant 112 : index
        %swap3A_1089 = tpu.vector_load %arg12[%swap3A_1087, %swap3A_1088] {strides = array<i32>} : memref<128x128xf32, #tpu.memory_space<vmem>>, vector<1x16xf32>,
        %swap3A_1090 = vector.shape_cast %swap3A_1089 : vector<1x16xf32> to vector<16xf32>
        %swap3A_1091 = vector.shape_cast %mul3A_1086 : vector<16xf32> to vector<1x16xf32>
        tpu.vector_store %arg12[%swap3A_1087, %swap3A_1088], %swap3A_1091 {strides = array<i32>} : memref<128x128xf32, #tpu.memory_space<vmem>>, vector<1x16xf32>,
        %broadcast_in_dim3A_1092 = arith.constant 12 : i32
        %broadcast_in_dim3A_1093 = vector.broadcast %broadcast_in_dim3A_1092 : i32 to vector<16x1xi32>
        %gather3A_1094 = vector.shape_cast %broadcast_in_dim3A_1093 : vector<16x1xi32> to vector<16xi32>
        %gather3A_1095 = tpu.dynamic_gather %get3A_38[%gather3A_1094] in [0] : vector<16xf32>, vector<16xi32> -> vector<16xf32>
        %mul3A_1096 = arith.constant 16 : i32
        %mul3A_1097 = arith.muli %scan3A_33, %mul3A_1096 : i32
        %add3A_1098 = arith.constant 12 : i32
        %add3A_1099 = arith.addi %mul3A_1097, %add3A_1098 : i32
        %get3A_1100 = arith.index_cast %add3A_1099 : i32 to index
        %get3A_1101 = arith.constant 0 : index
        %get3A_1102 = tpu.vector_load %arg12[%get3A_1100, %get3A_1101] {strides = array<i32>} : memref<128x128xf32, #tpu.memory_space<vmem>>, vector<1x16xf32>,
        %get3A_1103 = vector.shape_cast %get3A_1102 : vector<1x16xf32> to vector<16xf32>
        %mul3A_1104 = arith.mulf %get3A_1103, %gather3A_1095 : vector<16xf32>
        %swap3A_1105 = arith.index_cast %add3A_1099 : i32 to index
        %swap3A_1106 = arith.constant 0 : index
        %swap3A_1107 = tpu.vector_load %arg12[%swap3A_1105, %swap3A_1106] {strides = array<i32>} : memref<128x128xf32, #tpu.memory_space<vmem>>, vector<1x16xf32>,
        %swap3A_1108 = vector.shape_cast %swap3A_1107 : vector<1x16xf32> to vector<16xf32>
        %swap3A_1109 = vector.shape_cast %mul3A_1104 : vector<16xf32> to vector<1x16xf32>
        tpu.vector_store %arg12[%swap3A_1105, %swap3A_1106], %swap3A_1109 {strides = array<i32>} : memref<128x128xf32, #tpu.memory_space<vmem>>, vector<1x16xf32>,
        %get3A_1110 = arith.index_cast %add3A_1099 : i32 to index
        %get3A_1111 = arith.constant 16 : index
        %get3A_1112 = tpu.vector_load %arg12[%get3A_1110, %get3A_1111] {strides = array<i32>} : memref<128x128xf32, #tpu.memory_space<vmem>>, vector<1x16xf32>,
        %get3A_1113 = vector.shape_cast %get3A_1112 : vector<1x16xf32> to vector<16xf32>
        %mul3A_1114 = arith.mulf %get3A_1113, %gather3A_1095 : vector<16xf32>
        %swap3A_1115 = arith.index_cast %add3A_1099 : i32 to index
        %swap3A_1116 = arith.constant 16 : index
        %swap3A_1117 = tpu.vector_load %arg12[%swap3A_1115, %swap3A_1116] {strides = array<i32>} : memref<128x128xf32, #tpu.memory_space<vmem>>, vector<1x16xf32>,
        %swap3A_1118 = vector.shape_cast %swap3A_1117 : vector<1x16xf32> to vector<16xf32>
        %swap3A_1119 = vector.shape_cast %mul3A_1114 : vector<16xf32> to vector<1x16xf32>
        tpu.vector_store %arg12[%swap3A_1115, %swap3A_1116], %swap3A_1119 {strides = array<i32>} : memref<128x128xf32, #tpu.memory_space<vmem>>, vector<1x16xf32>,
        %get3A_1120 = arith.index_cast %add3A_1099 : i32 to index
        %get3A_1121 = arith.constant 32 : index
        %get3A_1122 = tpu.vector_load %arg12[%get3A_1120, %get3A_1121] {strides = array<i32>} : memref<128x128xf32, #tpu.memory_space<vmem>>, vector<1x16xf32>,
        %get3A_1123 = vector.shape_cast %get3A_1122 : vector<1x16xf32> to vector<16xf32>
        %mul3A_1124 = arith.mulf %get3A_1123, %gather3A_1095 : vector<16xf32>
        %swap3A_1125 = arith.index_cast %add3A_1099 : i32 to index
        %swap3A_1126 = arith.constant 32 : index
        %swap3A_1127 = tpu.vector_load %arg12[%swap3A_1125, %swap3A_1126] {strides = array<i32>} : memref<128x128xf32, #tpu.memory_space<vmem>>, vector<1x16xf32>,
        %swap3A_1128 = vector.shape_cast %swap3A_1127 : vector<1x16xf32> to vector<16xf32>
        %swap3A_1129 = vector.shape_cast %mul3A_1124 : vector<16xf32> to vector<1x16xf32>
        tpu.vector_store %arg12[%swap3A_1125, %swap3A_1126], %swap3A_1129 {strides = array<i32>} : memref<128x128xf32, #tpu.memory_space<vmem>>, vector<1x16xf32>,
        %get3A_1130 = arith.index_cast %add3A_1099 : i32 to index
        %get3A_1131 = arith.constant 48 : index
        %get3A_1132 = tpu.vector_load %arg12[%get3A_1130, %get3A_1131] {strides = array<i32>} : memref<128x128xf32, #tpu.memory_space<vmem>>, vector<1x16xf32>,
        %get3A_1133 = vector.shape_cast %get3A_1132 : vector<1x16xf32> to vector<16xf32>
        %mul3A_1134 = arith.mulf %get3A_1133, %gather3A_1095 : vector<16xf32>
        %swap3A_1135 = arith.index_cast %add3A_1099 : i32 to index
        %swap3A_1136 = arith.constant 48 : index
        %swap3A_1137 = tpu.vector_load %arg12[%swap3A_1135, %swap3A_1136] {strides = array<i32>} : memref<128x128xf32, #tpu.memory_space<vmem>>, vector<1x16xf32>,
        %swap3A_1138 = vector.shape_cast %swap3A_1137 : vector<1x16xf32> to vector<16xf32>
        %swap3A_1139 = vector.shape_cast %mul3A_1134 : vector<16xf32> to vector<1x16xf32>
        tpu.vector_store %arg12[%swap3A_1135, %swap3A_1136], %swap3A_1139 {strides = array<i32>} : memref<128x128xf32, #tpu.memory_space<vmem>>, vector<1x16xf32>,
        %get3A_1140 = arith.index_cast %add3A_1099 : i32 to index
        %get3A_1141 = arith.constant 64 : index
        %get3A_1142 = tpu.vector_load %arg12[%get3A_1140, %get3A_1141] {strides = array<i32>} : memref<128x128xf32, #tpu.memory_space<vmem>>, vector<1x16xf32>,
        %get3A_1143 = vector.shape_cast %get3A_1142 : vector<1x16xf32> to vector<16xf32>
        %mul3A_1144 = arith.mulf %get3A_1143, %gather3A_1095 : vector<16xf32>
        %swap3A_1145 = arith.index_cast %add3A_1099 : i32 to index
        %swap3A_1146 = arith.constant 64 : index
        %swap3A_1147 = tpu.vector_load %arg12[%swap3A_1145, %swap3A_1146] {strides = array<i32>} : memref<128x128xf32, #tpu.memory_space<vmem>>, vector<1x16xf32>,
        %swap3A_1148 = vector.shape_cast %swap3A_1147 : vector<1x16xf32> to vector<16xf32>
        %swap3A_1149 = vector.shape_cast %mul3A_1144 : vector<16xf32> to vector<1x16xf32>
        tpu.vector_store %arg12[%swap3A_1145, %swap3A_1146], %swap3A_1149 {strides = array<i32>} : memref<128x128xf32, #tpu.memory_space<vmem>>, vector<1x16xf32>,
        %get3A_1150 = arith.index_cast %add3A_1099 : i32 to index
        %get3A_1151 = arith.constant 80 : index
        %get3A_1152 = tpu.vector_load %arg12[%get3A_1150, %get3A_1151] {strides = array<i32>} : memref<128x128xf32, #tpu.memory_space<vmem>>, vector<1x16xf32>,
        %get3A_1153 = vector.shape_cast %get3A_1152 : vector<1x16xf32> to vector<16xf32>
        %mul3A_1154 = arith.mulf %get3A_1153, %gather3A_1095 : vector<16xf32>
        %swap3A_1155 = arith.index_cast %add3A_1099 : i32 to index
        %swap3A_1156 = arith.constant 80 : index
        %swap3A_1157 = tpu.vector_load %arg12[%swap3A_1155, %swap3A_1156] {strides = array<i32>} : memref<128x128xf32, #tpu.memory_space<vmem>>, vector<1x16xf32>,
        %swap3A_1158 = vector.shape_cast %swap3A_1157 : vector<1x16xf32> to vector<16xf32>
        %swap3A_1159 = vector.shape_cast %mul3A_1154 : vector<16xf32> to vector<1x16xf32>
        tpu.vector_store %arg12[%swap3A_1155, %swap3A_1156], %swap3A_1159 {strides = array<i32>} : memref<128x128xf32, #tpu.memory_space<vmem>>, vector<1x16xf32>,
        %get3A_1160 = arith.index_cast %add3A_1099 : i32 to index
        %get3A_1161 = arith.constant 96 : index
        %get3A_1162 = tpu.vector_load %arg12[%get3A_1160, %get3A_1161] {strides = array<i32>} : memref<128x128xf32, #tpu.memory_space<vmem>>, vector<1x16xf32>,
        %get3A_1163 = vector.shape_cast %get3A_1162 : vector<1x16xf32> to vector<16xf32>
        %mul3A_1164 = arith.mulf %get3A_1163, %gather3A_1095 : vector<16xf32>
        %swap3A_1165 = arith.index_cast %add3A_1099 : i32 to index
        %swap3A_1166 = arith.constant 96 : index
        %swap3A_1167 = tpu.vector_load %arg12[%swap3A_1165, %swap3A_1166] {strides = array<i32>} : memref<128x128xf32, #tpu.memory_space<vmem>>, vector<1x16xf32>,
        %swap3A_1168 = vector.shape_cast %swap3A_1167 : vector<1x16xf32> to vector<16xf32>
        %swap3A_1169 = vector.shape_cast %mul3A_1164 : vector<16xf32> to vector<1x16xf32>
        tpu.vector_store %arg12[%swap3A_1165, %swap3A_1166], %swap3A_1169 {strides = array<i32>} : memref<128x128xf32, #tpu.memory_space<vmem>>, vector<1x16xf32>,
        %get3A_1170 = arith.index_cast %add3A_1099 : i32 to index
        %get3A_1171 = arith.constant 112 : index
        %get3A_1172 = tpu.vector_load %arg12[%get3A_1170, %get3A_1171] {strides = array<i32>} : memref<128x128xf32, #tpu.memory_space<vmem>>, vector<1x16xf32>,
        %get3A_1173 = vector.shape_cast %get3A_1172 : vector<1x16xf32> to vector<16xf32>
        %mul3A_1174 = arith.mulf %get3A_1173, %gather3A_1095 : vector<16xf32>
        %swap3A_1175 = arith.index_cast %add3A_1099 : i32 to index
        %swap3A_1176 = arith.constant 112 : index
        %swap3A_1177 = tpu.vector_load %arg12[%swap3A_1175, %swap3A_1176] {strides = array<i32>} : memref<128x128xf32, #tpu.memory_space<vmem>>, vector<1x16xf32>,
        %swap3A_1178 = vector.shape_cast %swap3A_1177 : vector<1x16xf32> to vector<16xf32>
        %swap3A_1179 = vector.shape_cast %mul3A_1174 : vector<16xf32> to vector<1x16xf32>
        tpu.vector_store %arg12[%swap3A_1175, %swap3A_1176], %swap3A_1179 {strides = array<i32>} : memref<128x128xf32, #tpu.memory_space<vmem>>, vector<1x16xf32>,
        %broadcast_in_dim3A_1180 = arith.constant 13 : i32
        %broadcast_in_dim3A_1181 = vector.broadcast %broadcast_in_dim3A_1180 : i32 to vector<16x1xi32>
        %gather3A_1182 = vector.shape_cast %broadcast_in_dim3A_1181 : vector<16x1xi32> to vector<16xi32>
        %gather3A_1183 = tpu.dynamic_gather %get3A_38[%gather3A_1182] in [0] : vector<16xf32>, vector<16xi32> -> vector<16xf32>
        %mul3A_1184 = arith.constant 16 : i32
        %mul3A_1185 = arith.muli %scan3A_33, %mul3A_1184 : i32
        %add3A_1186 = arith.constant 13 : i32
        %add3A_1187 = arith.addi %mul3A_1185, %add3A_1186 : i32
        %get3A_1188 = arith.index_cast %add3A_1187 : i32 to index
        %get3A_1189 = arith.constant 0 : index
        %get3A_1190 = tpu.vector_load %arg12[%get3A_1188, %get3A_1189] {strides = array<i32>} : memref<128x128xf32, #tpu.memory_space<vmem>>, vector<1x16xf32>,
        %get3A_1191 = vector.shape_cast %get3A_1190 : vector<1x16xf32> to vector<16xf32>
        %mul3A_1192 = arith.mulf %get3A_1191, %gather3A_1183 : vector<16xf32>
        %swap3A_1193 = arith.index_cast %add3A_1187 : i32 to index
        %swap3A_1194 = arith.constant 0 : index
        %swap3A_1195 = tpu.vector_load %arg12[%swap3A_1193, %swap3A_1194] {strides = array<i32>} : memref<128x128xf32, #tpu.memory_space<vmem>>, vector<1x16xf32>,
        %swap3A_1196 = vector.shape_cast %swap3A_1195 : vector<1x16xf32> to vector<16xf32>
        %swap3A_1197 = vector.shape_cast %mul3A_1192 : vector<16xf32> to vector<1x16xf32>
        tpu.vector_store %arg12[%swap3A_1193, %swap3A_1194], %swap3A_1197 {strides = array<i32>} : memref<128x128xf32, #tpu.memory_space<vmem>>, vector<1x16xf32>,
        %get3A_1198 = arith.index_cast %add3A_1187 : i32 to index
        %get3A_1199 = arith.constant 16 : index
        %get3A_1200 = tpu.vector_load %arg12[%get3A_1198, %get3A_1199] {strides = array<i32>} : memref<128x128xf32, #tpu.memory_space<vmem>>, vector<1x16xf32>,
        %get3A_1201 = vector.shape_cast %get3A_1200 : vector<1x16xf32> to vector<16xf32>
        %mul3A_1202 = arith.mulf %get3A_1201, %gather3A_1183 : vector<16xf32>
        %swap3A_1203 = arith.index_cast %add3A_1187 : i32 to index
        %swap3A_1204 = arith.constant 16 : index
        %swap3A_1205 = tpu.vector_load %arg12[%swap3A_1203, %swap3A_1204] {strides = array<i32>} : memref<128x128xf32, #tpu.memory_space<vmem>>, vector<1x16xf32>,
        %swap3A_1206 = vector.shape_cast %swap3A_1205 : vector<1x16xf32> to vector<16xf32>
        %swap3A_1207 = vector.shape_cast %mul3A_1202 : vector<16xf32> to vector<1x16xf32>
        tpu.vector_store %arg12[%swap3A_1203, %swap3A_1204], %swap3A_1207 {strides = array<i32>} : memref<128x128xf32, #tpu.memory_space<vmem>>, vector<1x16xf32>,
        %get3A_1208 = arith.index_cast %add3A_1187 : i32 to index
        %get3A_1209 = arith.constant 32 : index
        %get3A_1210 = tpu.vector_load %arg12[%get3A_1208, %get3A_1209] {strides = array<i32>} : memref<128x128xf32, #tpu.memory_space<vmem>>, vector<1x16xf32>,
        %get3A_1211 = vector.shape_cast %get3A_1210 : vector<1x16xf32> to vector<16xf32>
        %mul3A_1212 = arith.mulf %get3A_1211, %gather3A_1183 : vector<16xf32>
        %swap3A_1213 = arith.index_cast %add3A_1187 : i32 to index
        %swap3A_1214 = arith.constant 32 : index
        %swap3A_1215 = tpu.vector_load %arg12[%swap3A_1213, %swap3A_1214] {strides = array<i32>} : memref<128x128xf32, #tpu.memory_space<vmem>>, vector<1x16xf32>,
        %swap3A_1216 = vector.shape_cast %swap3A_1215 : vector<1x16xf32> to vector<16xf32>
        %swap3A_1217 = vector.shape_cast %mul3A_1212 : vector<16xf32> to vector<1x16xf32>
        tpu.vector_store %arg12[%swap3A_1213, %swap3A_1214], %swap3A_1217 {strides = array<i32>} : memref<128x128xf32, #tpu.memory_space<vmem>>, vector<1x16xf32>,
        %get3A_1218 = arith.index_cast %add3A_1187 : i32 to index
        %get3A_1219 = arith.constant 48 : index
        %get3A_1220 = tpu.vector_load %arg12[%get3A_1218, %get3A_1219] {strides = array<i32>} : memref<128x128xf32, #tpu.memory_space<vmem>>, vector<1x16xf32>,
        %get3A_1221 = vector.shape_cast %get3A_1220 : vector<1x16xf32> to vector<16xf32>
        %mul3A_1222 = arith.mulf %get3A_1221, %gather3A_1183 : vector<16xf32>
        %swap3A_1223 = arith.index_cast %add3A_1187 : i32 to index
        %swap3A_1224 = arith.constant 48 : index
        %swap3A_1225 = tpu.vector_load %arg12[%swap3A_1223, %swap3A_1224] {strides = array<i32>} : memref<128x128xf32, #tpu.memory_space<vmem>>, vector<1x16xf32>,
        %swap3A_1226 = vector.shape_cast %swap3A_1225 : vector<1x16xf32> to vector<16xf32>
        %swap3A_1227 = vector.shape_cast %mul3A_1222 : vector<16xf32> to vector<1x16xf32>
        tpu.vector_store %arg12[%swap3A_1223, %swap3A_1224], %swap3A_1227 {strides = array<i32>} : memref<128x128xf32, #tpu.memory_space<vmem>>, vector<1x16xf32>,
        %get3A_1228 = arith.index_cast %add3A_1187 : i32 to index
        %get3A_1229 = arith.constant 64 : index
        %get3A_1230 = tpu.vector_load %arg12[%get3A_1228, %get3A_1229] {strides = array<i32>} : memref<128x128xf32, #tpu.memory_space<vmem>>, vector<1x16xf32>,
        %get3A_1231 = vector.shape_cast %get3A_1230 : vector<1x16xf32> to vector<16xf32>
        %mul3A_1232 = arith.mulf %get3A_1231, %gather3A_1183 : vector<16xf32>
        %swap3A_1233 = arith.index_cast %add3A_1187 : i32 to index
        %swap3A_1234 = arith.constant 64 : index
        %swap3A_1235 = tpu.vector_load %arg12[%swap3A_1233, %swap3A_1234] {strides = array<i32>} : memref<128x128xf32, #tpu.memory_space<vmem>>, vector<1x16xf32>,
        %swap3A_1236 = vector.shape_cast %swap3A_1235 : vector<1x16xf32> to vector<16xf32>
        %swap3A_1237 = vector.shape_cast %mul3A_1232 : vector<16xf32> to vector<1x16xf32>
        tpu.vector_store %arg12[%swap3A_1233, %swap3A_1234], %swap3A_1237 {strides = array<i32>} : memref<128x128xf32, #tpu.memory_space<vmem>>, vector<1x16xf32>,
        %get3A_1238 = arith.index_cast %add3A_1187 : i32 to index
        %get3A_1239 = arith.constant 80 : index
        %get3A_1240 = tpu.vector_load %arg12[%get3A_1238, %get3A_1239] {strides = array<i32>} : memref<128x128xf32, #tpu.memory_space<vmem>>, vector<1x16xf32>,
        %get3A_1241 = vector.shape_cast %get3A_1240 : vector<1x16xf32> to vector<16xf32>
        %mul3A_1242 = arith.mulf %get3A_1241, %gather3A_1183 : vector<16xf32>
        %swap3A_1243 = arith.index_cast %add3A_1187 : i32 to index
        %swap3A_1244 = arith.constant 80 : index
        %swap3A_1245 = tpu.vector_load %arg12[%swap3A_1243, %swap3A_1244] {strides = array<i32>} : memref<128x128xf32, #tpu.memory_space<vmem>>, vector<1x16xf32>,
        %swap3A_1246 = vector.shape_cast %swap3A_1245 : vector<1x16xf32> to vector<16xf32>
        %swap3A_1247 = vector.shape_cast %mul3A_1242 : vector<16xf32> to vector<1x16xf32>
        tpu.vector_store %arg12[%swap3A_1243, %swap3A_1244], %swap3A_1247 {strides = array<i32>} : memref<128x128xf32, #tpu.memory_space<vmem>>, vector<1x16xf32>,
        %get3A_1248 = arith.index_cast %add3A_1187 : i32 to index
        %get3A_1249 = arith.constant 96 : index
        %get3A_1250 = tpu.vector_load %arg12[%get3A_1248, %get3A_1249] {strides = array<i32>} : memref<128x128xf32, #tpu.memory_space<vmem>>, vector<1x16xf32>,
        %get3A_1251 = vector.shape_cast %get3A_1250 : vector<1x16xf32> to vector<16xf32>
        %mul3A_1252 = arith.mulf %get3A_1251, %gather3A_1183 : vector<16xf32>
        %swap3A_1253 = arith.index_cast %add3A_1187 : i32 to index
        %swap3A_1254 = arith.constant 96 : index
        %swap3A_1255 = tpu.vector_load %arg12[%swap3A_1253, %swap3A_1254] {strides = array<i32>} : memref<128x128xf32, #tpu.memory_space<vmem>>, vector<1x16xf32>,
        %swap3A_1256 = vector.shape_cast %swap3A_1255 : vector<1x16xf32> to vector<16xf32>
        %swap3A_1257 = vector.shape_cast %mul3A_1252 : vector<16xf32> to vector<1x16xf32>
        tpu.vector_store %arg12[%swap3A_1253, %swap3A_1254], %swap3A_1257 {strides = array<i32>} : memref<128x128xf32, #tpu.memory_space<vmem>>, vector<1x16xf32>,
        %get3A_1258 = arith.index_cast %add3A_1187 : i32 to index
        %get3A_1259 = arith.constant 112 : index
        %get3A_1260 = tpu.vector_load %arg12[%get3A_1258, %get3A_1259] {strides = array<i32>} : memref<128x128xf32, #tpu.memory_space<vmem>>, vector<1x16xf32>,
        %get3A_1261 = vector.shape_cast %get3A_1260 : vector<1x16xf32> to vector<16xf32>
        %mul3A_1262 = arith.mulf %get3A_1261, %gather3A_1183 : vector<16xf32>
        %swap3A_1263 = arith.index_cast %add3A_1187 : i32 to index
        %swap3A_1264 = arith.constant 112 : index
        %swap3A_1265 = tpu.vector_load %arg12[%swap3A_1263, %swap3A_1264] {strides = array<i32>} : memref<128x128xf32, #tpu.memory_space<vmem>>, vector<1x16xf32>,
        %swap3A_1266 = vector.shape_cast %swap3A_1265 : vector<1x16xf32> to vector<16xf32>
        %swap3A_1267 = vector.shape_cast %mul3A_1262 : vector<16xf32> to vector<1x16xf32>
        tpu.vector_store %arg12[%swap3A_1263, %swap3A_1264], %swap3A_1267 {strides = array<i32>} : memref<128x128xf32, #tpu.memory_space<vmem>>, vector<1x16xf32>,
        %broadcast_in_dim3A_1268 = arith.constant 14 : i32
        %broadcast_in_dim3A_1269 = vector.broadcast %broadcast_in_dim3A_1268 : i32 to vector<16x1xi32>
        %gather3A_1270 = vector.shape_cast %broadcast_in_dim3A_1269 : vector<16x1xi32> to vector<16xi32>
        %gather3A_1271 = tpu.dynamic_gather %get3A_38[%gather3A_1270] in [0] : vector<16xf32>, vector<16xi32> -> vector<16xf32>
        %mul3A_1272 = arith.constant 16 : i32
        %mul3A_1273 = arith.muli %scan3A_33, %mul3A_1272 : i32
        %add3A_1274 = arith.constant 14 : i32
        %add3A_1275 = arith.addi %mul3A_1273, %add3A_1274 : i32
        %get3A_1276 = arith.index_cast %add3A_1275 : i32 to index
        %get3A_1277 = arith.constant 0 : index
        %get3A_1278 = tpu.vector_load %arg12[%get3A_1276, %get3A_1277] {strides = array<i32>} : memref<128x128xf32, #tpu.memory_space<vmem>>, vector<1x16xf32>,
        %get3A_1279 = vector.shape_cast %get3A_1278 : vector<1x16xf32> to vector<16xf32>
        %mul3A_1280 = arith.mulf %get3A_1279, %gather3A_1271 : vector<16xf32>
        %swap3A_1281 = arith.index_cast %add3A_1275 : i32 to index
        %swap3A_1282 = arith.constant 0 : index
        %swap3A_1283 = tpu.vector_load %arg12[%swap3A_1281, %swap3A_1282] {strides = array<i32>} : memref<128x128xf32, #tpu.memory_space<vmem>>, vector<1x16xf32>,
        %swap3A_1284 = vector.shape_cast %swap3A_1283 : vector<1x16xf32> to vector<16xf32>
        %swap3A_1285 = vector.shape_cast %mul3A_1280 : vector<16xf32> to vector<1x16xf32>
        tpu.vector_store %arg12[%swap3A_1281, %swap3A_1282], %swap3A_1285 {strides = array<i32>} : memref<128x128xf32, #tpu.memory_space<vmem>>, vector<1x16xf32>,
        %get3A_1286 = arith.index_cast %add3A_1275 : i32 to index
        %get3A_1287 = arith.constant 16 : index
        %get3A_1288 = tpu.vector_load %arg12[%get3A_1286, %get3A_1287] {strides = array<i32>} : memref<128x128xf32, #tpu.memory_space<vmem>>, vector<1x16xf32>,
        %get3A_1289 = vector.shape_cast %get3A_1288 : vector<1x16xf32> to vector<16xf32>
        %mul3A_1290 = arith.mulf %get3A_1289, %gather3A_1271 : vector<16xf32>
        %swap3A_1291 = arith.index_cast %add3A_1275 : i32 to index
        %swap3A_1292 = arith.constant 16 : index
        %swap3A_1293 = tpu.vector_load %arg12[%swap3A_1291, %swap3A_1292] {strides = array<i32>} : memref<128x128xf32, #tpu.memory_space<vmem>>, vector<1x16xf32>,
        %swap3A_1294 = vector.shape_cast %swap3A_1293 : vector<1x16xf32> to vector<16xf32>
        %swap3A_1295 = vector.shape_cast %mul3A_1290 : vector<16xf32> to vector<1x16xf32>
        tpu.vector_store %arg12[%swap3A_1291, %swap3A_1292], %swap3A_1295 {strides = array<i32>} : memref<128x128xf32, #tpu.memory_space<vmem>>, vector<1x16xf32>,
        %get3A_1296 = arith.index_cast %add3A_1275 : i32 to index
        %get3A_1297 = arith.constant 32 : index
        %get3A_1298 = tpu.vector_load %arg12[%get3A_1296, %get3A_1297] {strides = array<i32>} : memref<128x128xf32, #tpu.memory_space<vmem>>, vector<1x16xf32>,
        %get3A_1299 = vector.shape_cast %get3A_1298 : vector<1x16xf32> to vector<16xf32>
        %mul3A_1300 = arith.mulf %get3A_1299, %gather3A_1271 : vector<16xf32>
        %swap3A_1301 = arith.index_cast %add3A_1275 : i32 to index
        %swap3A_1302 = arith.constant 32 : index
        %swap3A_1303 = tpu.vector_load %arg12[%swap3A_1301, %swap3A_1302] {strides = array<i32>} : memref<128x128xf32, #tpu.memory_space<vmem>>, vector<1x16xf32>,
        %swap3A_1304 = vector.shape_cast %swap3A_1303 : vector<1x16xf32> to vector<16xf32>
        %swap3A_1305 = vector.shape_cast %mul3A_1300 : vector<16xf32> to vector<1x16xf32>
        tpu.vector_store %arg12[%swap3A_1301, %swap3A_1302], %swap3A_1305 {strides = array<i32>} : memref<128x128xf32, #tpu.memory_space<vmem>>, vector<1x16xf32>,
        %get3A_1306 = arith.index_cast %add3A_1275 : i32 to index
        %get3A_1307 = arith.constant 48 : index
        %get3A_1308 = tpu.vector_load %arg12[%get3A_1306, %get3A_1307] {strides = array<i32>} : memref<128x128xf32, #tpu.memory_space<vmem>>, vector<1x16xf32>,
        %get3A_1309 = vector.shape_cast %get3A_1308 : vector<1x16xf32> to vector<16xf32>
        %mul3A_1310 = arith.mulf %get3A_1309, %gather3A_1271 : vector<16xf32>
        %swap3A_1311 = arith.index_cast %add3A_1275 : i32 to index
        %swap3A_1312 = arith.constant 48 : index
        %swap3A_1313 = tpu.vector_load %arg12[%swap3A_1311, %swap3A_1312] {strides = array<i32>} : memref<128x128xf32, #tpu.memory_space<vmem>>, vector<1x16xf32>,
        %swap3A_1314 = vector.shape_cast %swap3A_1313 : vector<1x16xf32> to vector<16xf32>
        %swap3A_1315 = vector.shape_cast %mul3A_1310 : vector<16xf32> to vector<1x16xf32>
        tpu.vector_store %arg12[%swap3A_1311, %swap3A_1312], %swap3A_1315 {strides = array<i32>} : memref<128x128xf32, #tpu.memory_space<vmem>>, vector<1x16xf32>,
        %get3A_1316 = arith.index_cast %add3A_1275 : i32 to index
        %get3A_1317 = arith.constant 64 : index
        %get3A_1318 = tpu.vector_load %arg12[%get3A_1316, %get3A_1317] {strides = array<i32>} : memref<128x128xf32, #tpu.memory_space<vmem>>, vector<1x16xf32>,
        %get3A_1319 = vector.shape_cast %get3A_1318 : vector<1x16xf32> to vector<16xf32>
        %mul3A_1320 = arith.mulf %get3A_1319, %gather3A_1271 : vector<16xf32>
        %swap3A_1321 = arith.index_cast %add3A_1275 : i32 to index
        %swap3A_1322 = arith.constant 64 : index
        %swap3A_1323 = tpu.vector_load %arg12[%swap3A_1321, %swap3A_1322] {strides = array<i32>} : memref<128x128xf32, #tpu.memory_space<vmem>>, vector<1x16xf32>,
        %swap3A_1324 = vector.shape_cast %swap3A_1323 : vector<1x16xf32> to vector<16xf32>
        %swap3A_1325 = vector.shape_cast %mul3A_1320 : vector<16xf32> to vector<1x16xf32>
        tpu.vector_store %arg12[%swap3A_1321, %swap3A_1322], %swap3A_1325 {strides = array<i32>} : memref<128x128xf32, #tpu.memory_space<vmem>>, vector<1x16xf32>,
        %get3A_1326 = arith.index_cast %add3A_1275 : i32 to index
        %get3A_1327 = arith.constant 80 : index
        %get3A_1328 = tpu.vector_load %arg12[%get3A_1326, %get3A_1327] {strides = array<i32>} : memref<128x128xf32, #tpu.memory_space<vmem>>, vector<1x16xf32>,
        %get3A_1329 = vector.shape_cast %get3A_1328 : vector<1x16xf32> to vector<16xf32>
        %mul3A_1330 = arith.mulf %get3A_1329, %gather3A_1271 : vector<16xf32>
        %swap3A_1331 = arith.index_cast %add3A_1275 : i32 to index
        %swap3A_1332 = arith.constant 80 : index
        %swap3A_1333 = tpu.vector_load %arg12[%swap3A_1331, %swap3A_1332] {strides = array<i32>} : memref<128x128xf32, #tpu.memory_space<vmem>>, vector<1x16xf32>,
        %swap3A_1334 = vector.shape_cast %swap3A_1333 : vector<1x16xf32> to vector<16xf32>
        %swap3A_1335 = vector.shape_cast %mul3A_1330 : vector<16xf32> to vector<1x16xf32>
        tpu.vector_store %arg12[%swap3A_1331, %swap3A_1332], %swap3A_1335 {strides = array<i32>} : memref<128x128xf32, #tpu.memory_space<vmem>>, vector<1x16xf32>,
        %get3A_1336 = arith.index_cast %add3A_1275 : i32 to index
        %get3A_1337 = arith.constant 96 : index
        %get3A_1338 = tpu.vector_load %arg12[%get3A_1336, %get3A_1337] {strides = array<i32>} : memref<128x128xf32, #tpu.memory_space<vmem>>, vector<1x16xf32>,
        %get3A_1339 = vector.shape_cast %get3A_1338 : vector<1x16xf32> to vector<16xf32>
        %mul3A_1340 = arith.mulf %get3A_1339, %gather3A_1271 : vector<16xf32>
        %swap3A_1341 = arith.index_cast %add3A_1275 : i32 to index
        %swap3A_1342 = arith.constant 96 : index
        %swap3A_1343 = tpu.vector_load %arg12[%swap3A_1341, %swap3A_1342] {strides = array<i32>} : memref<128x128xf32, #tpu.memory_space<vmem>>, vector<1x16xf32>,
        %swap3A_1344 = vector.shape_cast %swap3A_1343 : vector<1x16xf32> to vector<16xf32>
        %swap3A_1345 = vector.shape_cast %mul3A_1340 : vector<16xf32> to vector<1x16xf32>
        tpu.vector_store %arg12[%swap3A_1341, %swap3A_1342], %swap3A_1345 {strides = array<i32>} : memref<128x128xf32, #tpu.memory_space<vmem>>, vector<1x16xf32>,
        %get3A_1346 = arith.index_cast %add3A_1275 : i32 to index
        %get3A_1347 = arith.constant 112 : index
        %get3A_1348 = tpu.vector_load %arg12[%get3A_1346, %get3A_1347] {strides = array<i32>} : memref<128x128xf32, #tpu.memory_space<vmem>>, vector<1x16xf32>,
        %get3A_1349 = vector.shape_cast %get3A_1348 : vector<1x16xf32> to vector<16xf32>
        %mul3A_1350 = arith.mulf %get3A_1349, %gather3A_1271 : vector<16xf32>
        %swap3A_1351 = arith.index_cast %add3A_1275 : i32 to index
        %swap3A_1352 = arith.constant 112 : index
        %swap3A_1353 = tpu.vector_load %arg12[%swap3A_1351, %swap3A_1352] {strides = array<i32>} : memref<128x128xf32, #tpu.memory_space<vmem>>, vector<1x16xf32>,
        %swap3A_1354 = vector.shape_cast %swap3A_1353 : vector<1x16xf32> to vector<16xf32>
        %swap3A_1355 = vector.shape_cast %mul3A_1350 : vector<16xf32> to vector<1x16xf32>
        tpu.vector_store %arg12[%swap3A_1351, %swap3A_1352], %swap3A_1355 {strides = array<i32>} : memref<128x128xf32, #tpu.memory_space<vmem>>, vector<1x16xf32>,
        %broadcast_in_dim3A_1356 = arith.constant 15 : i32
        %broadcast_in_dim3A_1357 = vector.broadcast %broadcast_in_dim3A_1356 : i32 to vector<16x1xi32>
        %gather3A_1358 = vector.shape_cast %broadcast_in_dim3A_1357 : vector<16x1xi32> to vector<16xi32>
        %gather3A_1359 = tpu.dynamic_gather %get3A_38[%gather3A_1358] in [0] : vector<16xf32>, vector<16xi32> -> vector<16xf32>
        %mul3A_1360 = arith.constant 16 : i32
        %mul3A_1361 = arith.muli %scan3A_33, %mul3A_1360 : i32
        %add3A_1362 = arith.constant 15 : i32
        %add3A_1363 = arith.addi %mul3A_1361, %add3A_1362 : i32
        %get3A_1364 = arith.index_cast %add3A_1363 : i32 to index
        %get3A_1365 = arith.constant 0 : index
        %get3A_1366 = tpu.vector_load %arg12[%get3A_1364, %get3A_1365] {strides = array<i32>} : memref<128x128xf32, #tpu.memory_space<vmem>>, vector<1x16xf32>,
        %get3A_1367 = vector.shape_cast %get3A_1366 : vector<1x16xf32> to vector<16xf32>
        %mul3A_1368 = arith.mulf %get3A_1367, %gather3A_1359 : vector<16xf32>
        %swap3A_1369 = arith.index_cast %add3A_1363 : i32 to index
        %swap3A_1370 = arith.constant 0 : index
        %swap3A_1371 = tpu.vector_load %arg12[%swap3A_1369, %swap3A_1370] {strides = array<i32>} : memref<128x128xf32, #tpu.memory_space<vmem>>, vector<1x16xf32>,
        %swap3A_1372 = vector.shape_cast %swap3A_1371 : vector<1x16xf32> to vector<16xf32>
        %swap3A_1373 = vector.shape_cast %mul3A_1368 : vector<16xf32> to vector<1x16xf32>
        tpu.vector_store %arg12[%swap3A_1369, %swap3A_1370], %swap3A_1373 {strides = array<i32>} : memref<128x128xf32, #tpu.memory_space<vmem>>, vector<1x16xf32>,
        %get3A_1374 = arith.index_cast %add3A_1363 : i32 to index
        %get3A_1375 = arith.constant 16 : index
        %get3A_1376 = tpu.vector_load %arg12[%get3A_1374, %get3A_1375] {strides = array<i32>} : memref<128x128xf32, #tpu.memory_space<vmem>>, vector<1x16xf32>,
        %get3A_1377 = vector.shape_cast %get3A_1376 : vector<1x16xf32> to vector<16xf32>
        %mul3A_1378 = arith.mulf %get3A_1377, %gather3A_1359 : vector<16xf32>
        %swap3A_1379 = arith.index_cast %add3A_1363 : i32 to index
        %swap3A_1380 = arith.constant 16 : index
        %swap3A_1381 = tpu.vector_load %arg12[%swap3A_1379, %swap3A_1380] {strides = array<i32>} : memref<128x128xf32, #tpu.memory_space<vmem>>, vector<1x16xf32>,
        %swap3A_1382 = vector.shape_cast %swap3A_1381 : vector<1x16xf32> to vector<16xf32>
        %swap3A_1383 = vector.shape_cast %mul3A_1378 : vector<16xf32> to vector<1x16xf32>
        tpu.vector_store %arg12[%swap3A_1379, %swap3A_1380], %swap3A_1383 {strides = array<i32>} : memref<128x128xf32, #tpu.memory_space<vmem>>, vector<1x16xf32>,
        %get3A_1384 = arith.index_cast %add3A_1363 : i32 to index
        %get3A_1385 = arith.constant 32 : index
        %get3A_1386 = tpu.vector_load %arg12[%get3A_1384, %get3A_1385] {strides = array<i32>} : memref<128x128xf32, #tpu.memory_space<vmem>>, vector<1x16xf32>,
        %get3A_1387 = vector.shape_cast %get3A_1386 : vector<1x16xf32> to vector<16xf32>
        %mul3A_1388 = arith.mulf %get3A_1387, %gather3A_1359 : vector<16xf32>
        %swap3A_1389 = arith.index_cast %add3A_1363 : i32 to index
        %swap3A_1390 = arith.constant 32 : index
        %swap3A_1391 = tpu.vector_load %arg12[%swap3A_1389, %swap3A_1390] {strides = array<i32>} : memref<128x128xf32, #tpu.memory_space<vmem>>, vector<1x16xf32>,
        %swap3A_1392 = vector.shape_cast %swap3A_1391 : vector<1x16xf32> to vector<16xf32>
        %swap3A_1393 = vector.shape_cast %mul3A_1388 : vector<16xf32> to vector<1x16xf32>
        tpu.vector_store %arg12[%swap3A_1389, %swap3A_1390], %swap3A_1393 {strides = array<i32>} : memref<128x128xf32, #tpu.memory_space<vmem>>, vector<1x16xf32>,
        %get3A_1394 = arith.index_cast %add3A_1363 : i32 to index
        %get3A_1395 = arith.constant 48 : index
        %get3A_1396 = tpu.vector_load %arg12[%get3A_1394, %get3A_1395] {strides = array<i32>} : memref<128x128xf32, #tpu.memory_space<vmem>>, vector<1x16xf32>,
        %get3A_1397 = vector.shape_cast %get3A_1396 : vector<1x16xf32> to vector<16xf32>
        %mul3A_1398 = arith.mulf %get3A_1397, %gather3A_1359 : vector<16xf32>
        %swap3A_1399 = arith.index_cast %add3A_1363 : i32 to index
        %swap3A_1400 = arith.constant 48 : index
        %swap3A_1401 = tpu.vector_load %arg12[%swap3A_1399, %swap3A_1400] {strides = array<i32>} : memref<128x128xf32, #tpu.memory_space<vmem>>, vector<1x16xf32>,
        %swap3A_1402 = vector.shape_cast %swap3A_1401 : vector<1x16xf32> to vector<16xf32>
        %swap3A_1403 = vector.shape_cast %mul3A_1398 : vector<16xf32> to vector<1x16xf32>
        tpu.vector_store %arg12[%swap3A_1399, %swap3A_1400], %swap3A_1403 {strides = array<i32>} : memref<128x128xf32, #tpu.memory_space<vmem>>, vector<1x16xf32>,
        %get3A_1404 = arith.index_cast %add3A_1363 : i32 to index
        %get3A_1405 = arith.constant 64 : index
        %get3A_1406 = tpu.vector_load %arg12[%get3A_1404, %get3A_1405] {strides = array<i32>} : memref<128x128xf32, #tpu.memory_space<vmem>>, vector<1x16xf32>,
        %get3A_1407 = vector.shape_cast %get3A_1406 : vector<1x16xf32> to vector<16xf32>
        %mul3A_1408 = arith.mulf %get3A_1407, %gather3A_1359 : vector<16xf32>
        %swap3A_1409 = arith.index_cast %add3A_1363 : i32 to index
        %swap3A_1410 = arith.constant 64 : index
        %swap3A_1411 = tpu.vector_load %arg12[%swap3A_1409, %swap3A_1410] {strides = array<i32>} : memref<128x128xf32, #tpu.memory_space<vmem>>, vector<1x16xf32>,
        %swap3A_1412 = vector.shape_cast %swap3A_1411 : vector<1x16xf32> to vector<16xf32>
        %swap3A_1413 = vector.shape_cast %mul3A_1408 : vector<16xf32> to vector<1x16xf32>
        tpu.vector_store %arg12[%swap3A_1409, %swap3A_1410], %swap3A_1413 {strides = array<i32>} : memref<128x128xf32, #tpu.memory_space<vmem>>, vector<1x16xf32>,
        %get3A_1414 = arith.index_cast %add3A_1363 : i32 to index
        %get3A_1415 = arith.constant 80 : index
        %get3A_1416 = tpu.vector_load %arg12[%get3A_1414, %get3A_1415] {strides = array<i32>} : memref<128x128xf32, #tpu.memory_space<vmem>>, vector<1x16xf32>,
        %get3A_1417 = vector.shape_cast %get3A_1416 : vector<1x16xf32> to vector<16xf32>
        %mul3A_1418 = arith.mulf %get3A_1417, %gather3A_1359 : vector<16xf32>
        %swap3A_1419 = arith.index_cast %add3A_1363 : i32 to index
        %swap3A_1420 = arith.constant 80 : index
        %swap3A_1421 = tpu.vector_load %arg12[%swap3A_1419, %swap3A_1420] {strides = array<i32>} : memref<128x128xf32, #tpu.memory_space<vmem>>, vector<1x16xf32>,
        %swap3A_1422 = vector.shape_cast %swap3A_1421 : vector<1x16xf32> to vector<16xf32>
        %swap3A_1423 = vector.shape_cast %mul3A_1418 : vector<16xf32> to vector<1x16xf32>
        tpu.vector_store %arg12[%swap3A_1419, %swap3A_1420], %swap3A_1423 {strides = array<i32>} : memref<128x128xf32, #tpu.memory_space<vmem>>, vector<1x16xf32>,
        %get3A_1424 = arith.index_cast %add3A_1363 : i32 to index
        %get3A_1425 = arith.constant 96 : index
        %get3A_1426 = tpu.vector_load %arg12[%get3A_1424, %get3A_1425] {strides = array<i32>} : memref<128x128xf32, #tpu.memory_space<vmem>>, vector<1x16xf32>,
        %get3A_1427 = vector.shape_cast %get3A_1426 : vector<1x16xf32> to vector<16xf32>
        %mul3A_1428 = arith.mulf %get3A_1427, %gather3A_1359 : vector<16xf32>
        %swap3A_1429 = arith.index_cast %add3A_1363 : i32 to index
        %swap3A_1430 = arith.constant 96 : index
        %swap3A_1431 = tpu.vector_load %arg12[%swap3A_1429, %swap3A_1430] {strides = array<i32>} : memref<128x128xf32, #tpu.memory_space<vmem>>, vector<1x16xf32>,
        %swap3A_1432 = vector.shape_cast %swap3A_1431 : vector<1x16xf32> to vector<16xf32>
        %swap3A_1433 = vector.shape_cast %mul3A_1428 : vector<16xf32> to vector<1x16xf32>
        tpu.vector_store %arg12[%swap3A_1429, %swap3A_1430], %swap3A_1433 {strides = array<i32>} : memref<128x128xf32, #tpu.memory_space<vmem>>, vector<1x16xf32>,
        %get3A_1434 = arith.index_cast %add3A_1363 : i32 to index
        %get3A_1435 = arith.constant 112 : index
        %get3A_1436 = tpu.vector_load %arg12[%get3A_1434, %get3A_1435] {strides = array<i32>} : memref<128x128xf32, #tpu.memory_space<vmem>>, vector<1x16xf32>,
        %get3A_1437 = vector.shape_cast %get3A_1436 : vector<1x16xf32> to vector<16xf32>
        %mul3A_1438 = arith.mulf %get3A_1437, %gather3A_1359 : vector<16xf32>
        %swap3A_1439 = arith.index_cast %add3A_1363 : i32 to index
        %swap3A_1440 = arith.constant 112 : index
        %swap3A_1441 = tpu.vector_load %arg12[%swap3A_1439, %swap3A_1440] {strides = array<i32>} : memref<128x128xf32, #tpu.memory_space<vmem>>, vector<1x16xf32>,
        %swap3A_1442 = vector.shape_cast %swap3A_1441 : vector<1x16xf32> to vector<16xf32>
        %swap3A_1443 = vector.shape_cast %mul3A_1438 : vector<16xf32> to vector<1x16xf32>
        tpu.vector_store %arg12[%swap3A_1439, %swap3A_1440], %swap3A_1443 {strides = array<i32>} : memref<128x128xf32, #tpu.memory_space<vmem>>, vector<1x16xf32>,
        %scan3A_1444 = arith.constant 0 : i32
        scf.yield %scan3A_1444 : i32
      }
      %scan3A_31 = arith.constant 8 : i32
      "tpu.region"() ({
        %run_scoped3A = tpu.sem_alloc : memref<!tpu.dma_semaphore, #tpu.memory_space<semaphore_mem>>
        %dma_start3A_33 = arith.constant 0 : i32
        %dma_start3A_34 = arith.constant 0 : i32
        %dma_start3A_35 = tpu.memref_slice %arg8[%dma_start3A_33, %dma_start3A_34] : memref<10240x128xf32, #tpu.memory_space<vmem_shared>> -> memref<10240x128xf32, #tpu.memory_space<vmem_shared>>
        tpu.enqueue_indirect_dma source(%arg12 : memref<128x128xf32, #tpu.memory_space<vmem>>) target(%dma_start3A_35 : memref<10240x128xf32, #tpu.memory_space<vmem_shared>>) offsets(%arg10 : memref<128xi32, #tpu.memory_space<vmem>>) semaphore(%run_scoped3A : memref<!tpu.dma_semaphore, #tpu.memory_space<semaphore_mem>>) {add = true}
        %dma_wait3A_36 = arith.constant 0 : i32
        %dma_wait3A_37 = arith.constant 0 : i32
        %dma_wait3A_38 = tpu.memref_slice %arg8[%dma_wait3A_36, %dma_wait3A_37] : memref<10240x128xf32, #tpu.memory_space<vmem_shared>> -> memref<10240x128xf32, #tpu.memory_space<vmem_shared>>
        tpu.wait_indirect_dma semaphore(%run_scoped3A : memref<!tpu.dma_semaphore, #tpu.memory_space<semaphore_mem>>) src(%arg12 : memref<128x128xf32, #tpu.memory_space<vmem>>) dst(%dma_wait3A_38 : memref<10240x128xf32, #tpu.memory_space<vmem_shared>>)
        tpu.yield
      }) : () -> ()
      %scan3A_32 = arith.constant 0 : i32
      scf.yield %scan3A_32 : i32
    }
    %scan3A_10 = arith.constant 79 : i32
    %barrier3A_11 = arith.constant 0 : index
    tpu.barrier barrier_id(%barrier3A_11)
    %mul3A_12 = arith.constant 640 : i32
    %mul3A_13 = arith.muli %arg1, %mul3A_12 : i32
    %mul3A_14 = arith.constant 640 : i32
    %mul3A_15 = arith.muli %arg1, %mul3A_14 : i32
    "tpu.region"() ({
      %run_scoped3A = tpu.sem_alloc : memref<!tpu.dma_semaphore, #tpu.memory_space<semaphore_mem>>
      %dma_start3A = arith.constant 0 : i32
      %dma_start3A_16 = tpu.memref_slice %arg7[%arg0, %mul3A_15, %dma_start3A] : memref<2x10240x128xf32, #tpu.memory_space<hbm>> -> memref<1x640x128xf32, #tpu.memory_space<hbm>>
      %dma_start3A_17 = tpu.memref_squeeze %dma_start3A_16 : memref<1x640x128xf32, #tpu.memory_space<hbm>> -> memref<640x128xf32, #tpu.memory_space<hbm>>
      %dma_start3A_18 = arith.constant 0 : i32
      %dma_start3A_19 = tpu.memref_slice %arg8[%mul3A_13, %dma_start3A_18] : memref<10240x128xf32, #tpu.memory_space<vmem_shared>> -> memref<640x128xf32, #tpu.memory_space<vmem_shared>>
      tpu.enqueue_dma source(%dma_start3A_19 : memref<640x128xf32, #tpu.memory_space<vmem_shared>>) target(%dma_start3A_17 : memref<640x128xf32, #tpu.memory_space<hbm>>) target_semaphore(%run_scoped3A : memref<!tpu.dma_semaphore, #tpu.memory_space<semaphore_mem>>)
      %dma_wait3A = arith.constant 0 : i32
      %dma_wait3A_20 = tpu.memref_slice %arg7[%arg0, %mul3A_15, %dma_wait3A] : memref<2x10240x128xf32, #tpu.memory_space<hbm>> -> memref<1x640x128xf32, #tpu.memory_space<hbm>>
      %dma_wait3A_21 = tpu.memref_squeeze %dma_wait3A_20 : memref<1x640x128xf32, #tpu.memory_space<hbm>> -> memref<640x128xf32, #tpu.memory_space<hbm>>
      %dma_wait3A_22 = arith.constant 0 : i32
      %dma_wait3A_23 = tpu.memref_slice %arg8[%mul3A_13, %dma_wait3A_22] : memref<10240x128xf32, #tpu.memory_space<vmem_shared>> -> memref<640x128xf32, #tpu.memory_space<vmem_shared>>
      tpu.wait_dma2 semaphore(%run_scoped3A : memref<!tpu.dma_semaphore, #tpu.memory_space<semaphore_mem>>) src(%dma_wait3A_23 : memref<640x128xf32, #tpu.memory_space<vmem_shared>>) dst(%dma_wait3A_21 : memref<640x128xf32, #tpu.memory_space<hbm>>)
      tpu.yield
    }) : () -> ()
    return
  }
}

module attributes {stable_mosaic.version = 14 : i64} {
  func.func @_prep_body(%arg0: memref<5xi32, #tpu.memory_space<smem>>, %arg1: memref<2528x128xi32, #tpu.memory_space<vmem>>, %arg2: memref<2528x128xf32, #tpu.memory_space<vmem>>, %arg3: memref<2528x128xi32, #tpu.memory_space<vmem>>, %arg4: memref<2528x128xf32, #tpu.memory_space<vmem>>) attributes {dimension_semantics = [], scalar_prefetch = 0 : i64, scratch_operands = 0 : i64, tpu.core_type = #tpu.core_type<tc>} {
    %iota3A = tpu.iota {dimensions = array<i32: 0>} : vector<2528x128xi32>
    %iota3A_0 = tpu.iota {dimensions = array<i32: 1>} : vector<2528x128xi32>
    %mul3A = arith.constant 128 : i32
    %mul3A_1 = vector.broadcast %mul3A : i32 to vector<2528x128xi32>
    %mul3A_2 = arith.muli %iota3A, %mul3A_1 : vector<2528x128xi32>
    %add3A = arith.addi %mul3A_2, %iota3A_0 : vector<2528x128xi32>
    %get3A = arith.constant 0 : index
    %get3A_3 = memref.load %arg0[%get3A] : memref<5xi32, #tpu.memory_space<smem>>
    %get3A_4 = arith.constant 1 : index
    %get3A_5 = memref.load %arg0[%get3A_4] : memref<5xi32, #tpu.memory_space<smem>>
    %get3A_6 = arith.constant 2 : index
    %get3A_7 = memref.load %arg0[%get3A_6] : memref<5xi32, #tpu.memory_space<smem>>
    %get3A_8 = arith.constant 3 : index
    %get3A_9 = memref.load %arg0[%get3A_8] : memref<5xi32, #tpu.memory_space<smem>>
    %get3A_10 = arith.constant 4 : index
    %get3A_11 = memref.load %arg0[%get3A_10] : memref<5xi32, #tpu.memory_space<smem>>
    %ge3A = vector.broadcast %get3A_5 : i32 to vector<2528x128xi32>
    %ge3A_12 = arith.cmpi sge, %add3A, %ge3A : vector<2528x128xi32>
    %convert_element_type3A = arith.extui %ge3A_12 : vector<2528x128xi1> to vector<2528x128xi32>
    %ge3A_13 = vector.broadcast %get3A_7 : i32 to vector<2528x128xi32>
    %ge3A_14 = arith.cmpi sge, %add3A, %ge3A_13 : vector<2528x128xi32>
    %convert_element_type3A_15 = arith.extui %ge3A_14 : vector<2528x128xi1> to vector<2528x128xi32>
    %add3A_16 = arith.addi %convert_element_type3A, %convert_element_type3A_15 : vector<2528x128xi32>
    %ge3A_17 = vector.broadcast %get3A_9 : i32 to vector<2528x128xi32>
    %ge3A_18 = arith.cmpi sge, %add3A, %ge3A_17 : vector<2528x128xi32>
    %convert_element_type3A_19 = arith.extui %ge3A_18 : vector<2528x128xi1> to vector<2528x128xi32>
    %add3A_20 = arith.addi %add3A_16, %convert_element_type3A_19 : vector<2528x128xi32>
    %ge3A_21 = vector.broadcast %get3A_3 : i32 to vector<2528x128xi32>
    %ge3A_22 = arith.cmpi sge, %add3A, %ge3A_21 : vector<2528x128xi32>
    %lt3A = vector.broadcast %get3A_11 : i32 to vector<2528x128xi32>
    %lt3A_23 = arith.cmpi slt, %add3A, %lt3A : vector<2528x128xi32>
    %and3A = arith.andi %ge3A_22, %lt3A_23 : vector<2528x128xi1>
    %get3A_24 = arith.constant 0 : index
    %get3A_25 = arith.constant 0 : index
    %get3A_26 = vector.load %arg1[%get3A_24, %get3A_25] : memref<2528x128xi32, #tpu.memory_space<vmem>>, vector<2528x128xi32>
    %mul3A_27 = arith.constant 10000 : i32
    %mul3A_28 = vector.broadcast %mul3A_27 : i32 to vector<2528x128xi32>
    %mul3A_29 = arith.muli %mul3A_28, %add3A_20 : vector<2528x128xi32>
    %add3A_30 = arith.addi %get3A_26, %mul3A_29 : vector<2528x128xi32>
    %swap3A = arith.constant 0 : index
    %swap3A_31 = arith.constant 0 : index
    %swap3A_32 = vector.load %arg3[%swap3A, %swap3A_31] : memref<2528x128xi32, #tpu.memory_space<vmem>>, vector<2528x128xi32>
    tpu.vector_store %arg3[%swap3A, %swap3A_31], %add3A_30 {strides = array<i32>} : memref<2528x128xi32, #tpu.memory_space<vmem>>, vector<2528x128xi32>,
    %get3A_33 = arith.constant 0 : index
    %get3A_34 = arith.constant 0 : index
    %get3A_35 = vector.load %arg2[%get3A_33, %get3A_34] : memref<2528x128xf32, #tpu.memory_space<vmem>>, vector<2528x128xf32>
    %convert_element_type3A_36 = arith.extui %and3A : vector<2528x128xi1> to vector<2528x128xi32>
    %convert_element_type3A_37 = arith.sitofp %convert_element_type3A_36 : vector<2528x128xi32> to vector<2528x128xf32>
    %mul3A_38 = arith.mulf %get3A_35, %convert_element_type3A_37 : vector<2528x128xf32>
    %swap3A_39 = arith.constant 0 : index
    %swap3A_40 = arith.constant 0 : index
    %swap3A_41 = vector.load %arg4[%swap3A_39, %swap3A_40] : memref<2528x128xf32, #tpu.memory_space<vmem>>, vector<2528x128xf32>
    tpu.vector_store %arg4[%swap3A_39, %swap3A_40], %mul3A_38 {strides = array<i32>} : memref<2528x128xf32, #tpu.memory_space<vmem>>, vector<2528x128xf32>,
    return
  }
}

module attributes {stable_mosaic.version = 14 : i64} {
  func.func @_ymm_body(%arg0: i32, %arg1: i32, %arg2: memref<1000x128xf32, #tpu.memory_space<vmem>>, %arg3: memref<1x128x128xf32, #tpu.memory_space<vmem>>, %arg4: memref<1x1000x128xf32, #tpu.memory_space<vmem>>) attributes {dimension_semantics = [#tpu.dimension_semantics<arbitrary>, #tpu.dimension_semantics<arbitrary>], iteration_bounds = array<i64: 4, 10>, scalar_prefetch = 0 : i64, scratch_operands = 0 : i64, tpu.core_type = #tpu.core_type<tc>, window_params = [{transform_indices = @transform_0, window_bounds = array<i64: 1000, 128>}, {transform_indices = @transform_1, window_bounds = array<i64: 1, 128, 128>}, {transform_indices = @transform_2, window_bounds = array<i64: 1, 1000, 128>}]} {
    %get3A = arith.constant 0 : index
    %get3A_0 = arith.constant 0 : index
    %get3A_1 = vector.load %arg2[%get3A, %get3A_0] : memref<1000x128xf32, #tpu.memory_space<vmem>>, vector<1000x128xf32>
    %get3A_2 = arith.constant 0 : index
    %get3A_3 = arith.constant 0 : index
    %get3A_4 = arith.constant 0 : index
    %get3A_5 = vector.load %arg3[%get3A_2, %get3A_3, %get3A_4] : memref<1x128x128xf32, #tpu.memory_space<vmem>>, vector<1x128x128xf32>
    %get3A_6 = vector.shape_cast %get3A_5 : vector<1x128x128xf32> to vector<128x128xf32>
    %dot_general3A = arith.constant dense<0.000000e+00> : vector<1000x128xf32>
    %dot_general3A_7 = tpu.matmul %get3A_1, %get3A_6, %dot_general3A {dimension_numbers = #tpu.dot_dimension_numbers<[1], [0], [0], [1], [0, 0, 1, 1], [], []>, transpose_lhs_hint = false} : vector<1000x128xf32>, vector<128x128xf32>, vector<1000x128xf32> -> vector<1000x128xf32>
    %swap3A = arith.constant 0 : index
    %swap3A_8 = arith.constant 0 : index
    %swap3A_9 = arith.constant 0 : index
    %swap3A_10 = vector.load %arg4[%swap3A, %swap3A_8, %swap3A_9] : memref<1x1000x128xf32, #tpu.memory_space<vmem>>, vector<1x1000x128xf32>
    %swap3A_11 = vector.shape_cast %swap3A_10 : vector<1x1000x128xf32> to vector<1000x128xf32>
    %swap3A_12 = vector.shape_cast %dot_general3A_7 : vector<1000x128xf32> to vector<1x1000x128xf32>
    tpu.vector_store %arg4[%swap3A, %swap3A_8, %swap3A_9], %swap3A_12 {strides = array<i32>} : memref<1x1000x128xf32, #tpu.memory_space<vmem>>, vector<1x1000x128xf32>,
    return
  }
  func.func @transform_0(%arg0: i32, %arg1: i32) -> (i32, i32) {
    %c0_i32 = arith.constant 0 : i32
    %c0_i32_0 = arith.constant 0 : i32
    return %arg1, %c0_i32 : i32, i32
  }
  func.func @transform_1(%arg0: i32, %arg1: i32) -> (i32, i32, i32) {
    %c0_i32 = arith.constant 0 : i32
    %c0_i32_0 = arith.constant 0 : i32
    %c0_i32_1 = arith.constant 0 : i32
    return %arg0, %c0_i32, %c0_i32_0 : i32, i32, i32
  }
  func.func @transform_2(%arg0: i32, %arg1: i32) -> (i32, i32, i32) {
    %c0_i32 = arith.constant 0 : i32
    %c0_i32_0 = arith.constant 0 : i32
    return %arg0, %arg1, %c0_i32 : i32, i32, i32
  }
}

module attributes {stable_mosaic.version = 14 : i64} {
  func.func @_comb_body(%arg0: i32, %arg1: memref<5xi32, #tpu.memory_space<smem>>, %arg2: memref<1000x128xf32, #tpu.memory_space<vmem>>, %arg3: memref<4x128x128xf32, #tpu.memory_space<vmem>>, %arg4: memref<4x128xf32, #tpu.memory_space<vmem>>, %arg5: memref<2x1000x128xf32, #tpu.memory_space<vmem>>, %arg6: memref<1000x128xf32, #tpu.memory_space<vmem>>) attributes {dimension_semantics = [#tpu.dimension_semantics<arbitrary>], iteration_bounds = array<i64: 10>, scalar_prefetch = 0 : i64, scratch_operands = 0 : i64, tpu.core_type = #tpu.core_type<tc>, window_params = [{transform_indices = @transform_0, window_bounds = array<i64: 5>}, {transform_indices = @transform_1, window_bounds = array<i64: 1000, 128>}, {pipeline_mode = #tpu.pipeline_mode<synchronous>, transform_indices = @transform_2, window_bounds = array<i64: 4, 128, 128>}, {pipeline_mode = #tpu.pipeline_mode<synchronous>, transform_indices = @transform_3, window_bounds = array<i64: 4, 128>}, {transform_indices = @transform_4, window_bounds = array<i64: 2, 1000, 128>}, {transform_indices = @transform_5, window_bounds = array<i64: 1000, 128>}]} {
    %get3A = arith.constant 1 : index
    %get3A_0 = memref.load %arg1[%get3A] : memref<5xi32, #tpu.memory_space<smem>>
    %get3A_1 = arith.constant 0 : index
    %get3A_2 = memref.load %arg1[%get3A_1] : memref<5xi32, #tpu.memory_space<smem>>
    %gt3A = arith.cmpi sgt, %get3A_0, %get3A_2 : i32
    %jit3A = arith.constant 1.000000e+00 : f32
    %jit3A_3 = arith.constant 0.000000e+00 : f32
    %select_n3A = arith.select %gt3A, %jit3A, %jit3A_3 : f32
    %get3A_4 = arith.constant 2 : index
    %get3A_5 = memref.load %arg1[%get3A_4] : memref<5xi32, #tpu.memory_space<smem>>
    %get3A_6 = arith.constant 1 : index
    %get3A_7 = memref.load %arg1[%get3A_6] : memref<5xi32, #tpu.memory_space<smem>>
    %gt3A_8 = arith.cmpi sgt, %get3A_5, %get3A_7 : i32
    %jit3A_9 = arith.constant 1.000000e+00 : f32
    %jit3A_10 = arith.constant 0.000000e+00 : f32
    %select_n3A_11 = arith.select %gt3A_8, %jit3A_9, %jit3A_10 : f32
    %get3A_12 = arith.constant 3 : index
    %get3A_13 = memref.load %arg1[%get3A_12] : memref<5xi32, #tpu.memory_space<smem>>
    %get3A_14 = arith.constant 2 : index
    %get3A_15 = memref.load %arg1[%get3A_14] : memref<5xi32, #tpu.memory_space<smem>>
    %gt3A_16 = arith.cmpi sgt, %get3A_13, %get3A_15 : i32
    %jit3A_17 = arith.constant 1.000000e+00 : f32
    %jit3A_18 = arith.constant 0.000000e+00 : f32
    %select_n3A_19 = arith.select %gt3A_16, %jit3A_17, %jit3A_18 : f32
    %get3A_20 = arith.constant 4 : index
    %get3A_21 = memref.load %arg1[%get3A_20] : memref<5xi32, #tpu.memory_space<smem>>
    %get3A_22 = arith.constant 3 : index
    %get3A_23 = memref.load %arg1[%get3A_22] : memref<5xi32, #tpu.memory_space<smem>>
    %gt3A_24 = arith.cmpi sgt, %get3A_21, %get3A_23 : i32
    %jit3A_25 = arith.constant 1.000000e+00 : f32
    %jit3A_26 = arith.constant 0.000000e+00 : f32
    %select_n3A_27 = arith.select %gt3A_24, %jit3A_25, %jit3A_26 : f32
    %get3A_28 = arith.constant 0 : index
    %get3A_29 = arith.constant 0 : index
    %get3A_30 = arith.constant 0 : index
    %get3A_31 = vector.load %arg3[%get3A_28, %get3A_29, %get3A_30] : memref<4x128x128xf32, #tpu.memory_space<vmem>>, vector<1x128x128xf32>
    %get3A_32 = vector.shape_cast %get3A_31 : vector<1x128x128xf32> to vector<128x128xf32>
    %mul3A = vector.broadcast %select_n3A : f32 to vector<128x128xf32>
    %mul3A_33 = arith.mulf %mul3A, %get3A_32 : vector<128x128xf32>
    %get3A_34 = arith.constant 1 : index
    %get3A_35 = arith.constant 0 : index
    %get3A_36 = arith.constant 0 : index
    %get3A_37 = vector.load %arg3[%get3A_34, %get3A_35, %get3A_36] : memref<4x128x128xf32, #tpu.memory_space<vmem>>, vector<1x128x128xf32>
    %get3A_38 = vector.shape_cast %get3A_37 : vector<1x128x128xf32> to vector<128x128xf32>
    %mul3A_39 = vector.broadcast %select_n3A_11 : f32 to vector<128x128xf32>
    %mul3A_40 = arith.mulf %mul3A_39, %get3A_38 : vector<128x128xf32>
    %add3A = arith.addf %mul3A_33, %mul3A_40 : vector<128x128xf32>
    %get3A_41 = arith.constant 2 : index
    %get3A_42 = arith.constant 0 : index
    %get3A_43 = arith.constant 0 : index
    %get3A_44 = vector.load %arg3[%get3A_41, %get3A_42, %get3A_43] : memref<4x128x128xf32, #tpu.memory_space<vmem>>, vector<1x128x128xf32>
    %get3A_45 = vector.shape_cast %get3A_44 : vector<1x128x128xf32> to vector<128x128xf32>
    %mul3A_46 = vector.broadcast %select_n3A_19 : f32 to vector<128x128xf32>
    %mul3A_47 = arith.mulf %mul3A_46, %get3A_45 : vector<128x128xf32>
    %add3A_48 = arith.addf %add3A, %mul3A_47 : vector<128x128xf32>
    %get3A_49 = arith.constant 3 : index
    %get3A_50 = arith.constant 0 : index
    %get3A_51 = arith.constant 0 : index
    %get3A_52 = vector.load %arg3[%get3A_49, %get3A_50, %get3A_51] : memref<4x128x128xf32, #tpu.memory_space<vmem>>, vector<1x128x128xf32>
    %get3A_53 = vector.shape_cast %get3A_52 : vector<1x128x128xf32> to vector<128x128xf32>
    %mul3A_54 = vector.broadcast %select_n3A_27 : f32 to vector<128x128xf32>
    %mul3A_55 = arith.mulf %mul3A_54, %get3A_53 : vector<128x128xf32>
    %add3A_56 = arith.addf %add3A_48, %mul3A_55 : vector<128x128xf32>
    %get3A_57 = arith.constant 0 : index
    %get3A_58 = arith.constant 0 : index
    %get3A_59 = vector.load %arg4[%get3A_57, %get3A_58] : memref<4x128xf32, #tpu.memory_space<vmem>>, vector<1x128xf32>
    %get3A_60 = vector.shape_cast %get3A_59 : vector<1x128xf32> to vector<128xf32>
    %mul3A_61 = vector.broadcast %select_n3A : f32 to vector<128xf32>
    %mul3A_62 = arith.mulf %mul3A_61, %get3A_60 : vector<128xf32>
    %get3A_63 = arith.constant 1 : index
    %get3A_64 = arith.constant 0 : index
    %get3A_65 = vector.load %arg4[%get3A_63, %get3A_64] : memref<4x128xf32, #tpu.memory_space<vmem>>, vector<1x128xf32>
    %get3A_66 = vector.shape_cast %get3A_65 : vector<1x128xf32> to vector<128xf32>
    %mul3A_67 = vector.broadcast %select_n3A_11 : f32 to vector<128xf32>
    %mul3A_68 = arith.mulf %mul3A_67, %get3A_66 : vector<128xf32>
    %add3A_69 = arith.addf %mul3A_62, %mul3A_68 : vector<128xf32>
    %get3A_70 = arith.constant 2 : index
    %get3A_71 = arith.constant 0 : index
    %get3A_72 = vector.load %arg4[%get3A_70, %get3A_71] : memref<4x128xf32, #tpu.memory_space<vmem>>, vector<1x128xf32>
    %get3A_73 = vector.shape_cast %get3A_72 : vector<1x128xf32> to vector<128xf32>
    %mul3A_74 = vector.broadcast %select_n3A_19 : f32 to vector<128xf32>
    %mul3A_75 = arith.mulf %mul3A_74, %get3A_73 : vector<128xf32>
    %add3A_76 = arith.addf %add3A_69, %mul3A_75 : vector<128xf32>
    %get3A_77 = arith.constant 3 : index
    %get3A_78 = arith.constant 0 : index
    %get3A_79 = vector.load %arg4[%get3A_77, %get3A_78] : memref<4x128xf32, #tpu.memory_space<vmem>>, vector<1x128xf32>
    %get3A_80 = vector.shape_cast %get3A_79 : vector<1x128xf32> to vector<128xf32>
    %mul3A_81 = vector.broadcast %select_n3A_27 : f32 to vector<128xf32>
    %mul3A_82 = arith.mulf %mul3A_81, %get3A_80 : vector<128xf32>
    %add3A_83 = arith.addf %add3A_76, %mul3A_82 : vector<128xf32>
    %get3A_84 = arith.constant 0 : index
    %get3A_85 = arith.constant 0 : index
    %get3A_86 = vector.load %arg2[%get3A_84, %get3A_85] : memref<1000x128xf32, #tpu.memory_space<vmem>>, vector<1000x128xf32>
    %dot_general3A = arith.constant dense<0.000000e+00> : vector<1000x128xf32>
    %dot_general3A_87 = tpu.matmul %get3A_86, %add3A_56, %dot_general3A {dimension_numbers = #tpu.dot_dimension_numbers<[1], [0], [0], [1], [0, 0, 1, 1], [], []>, transpose_lhs_hint = false} : vector<1000x128xf32>, vector<128x128xf32>, vector<1000x128xf32> -> vector<1000x128xf32>
    %broadcast_in_dim3A = vector.shape_cast %add3A_83 : vector<128xf32> to vector<1x128xf32>
    %add3A_88 = vector.broadcast %broadcast_in_dim3A : vector<1x128xf32> to vector<1000x128xf32>
    %add3A_89 = arith.addf %dot_general3A_87, %add3A_88 : vector<1000x128xf32>
    %get3A_90 = arith.constant 0 : index
    %get3A_91 = arith.constant 0 : index
    %get3A_92 = arith.constant 0 : index
    %get3A_93 = vector.load %arg5[%get3A_90, %get3A_91, %get3A_92] : memref<2x1000x128xf32, #tpu.memory_space<vmem>>, vector<1x1000x128xf32>
    %get3A_94 = vector.shape_cast %get3A_93 : vector<1x1000x128xf32> to vector<1000x128xf32>
    %add3A_95 = arith.addf %add3A_89, %get3A_94 : vector<1000x128xf32>
    %get3A_96 = arith.constant 1 : index
    %get3A_97 = arith.constant 0 : index
    %get3A_98 = arith.constant 0 : index
    %get3A_99 = vector.load %arg5[%get3A_96, %get3A_97, %get3A_98] : memref<2x1000x128xf32, #tpu.memory_space<vmem>>, vector<1x1000x128xf32>
    %get3A_100 = vector.shape_cast %get3A_99 : vector<1x1000x128xf32> to vector<1000x128xf32>
    %add3A_101 = arith.addf %add3A_95, %get3A_100 : vector<1000x128xf32>
    %swap3A = arith.constant 0 : index
    %swap3A_102 = arith.constant 0 : index
    %swap3A_103 = vector.load %arg6[%swap3A, %swap3A_102] : memref<1000x128xf32, #tpu.memory_space<vmem>>, vector<1000x128xf32>
    tpu.vector_store %arg6[%swap3A, %swap3A_102], %add3A_101 {strides = array<i32>} : memref<1000x128xf32, #tpu.memory_space<vmem>>, vector<1000x128xf32>,
    return
  }
  func.func @transform_0(%arg0: i32) -> i32 {
    %c0_i32 = arith.constant 0 : i32
    %c0_i32_0 = arith.constant 0 : i32
    return %c0_i32 : i32
  }
  func.func @transform_1(%arg0: i32) -> (i32, i32) {
    %c0_i32 = arith.constant 0 : i32
    %c0_i32_0 = arith.constant 0 : i32
    return %arg0, %c0_i32 : i32, i32
  }
  func.func @transform_2(%arg0: i32) -> (i32, i32, i32) {
    %c0_i32 = arith.constant 0 : i32
    %c0_i32_0 = arith.constant 0 : i32
    %c0_i32_1 = arith.constant 0 : i32
    %c0_i32_2 = arith.constant 0 : i32
    return %c0_i32, %c0_i32_0, %c0_i32_1 : i32, i32, i32
  }
  func.func @transform_3(%arg0: i32) -> (i32, i32) {
    %c0_i32 = arith.constant 0 : i32
    %c0_i32_0 = arith.constant 0 : i32
    %c0_i32_1 = arith.constant 0 : i32
    return %c0_i32, %c0_i32_0 : i32, i32
  }
  func.func @transform_4(%arg0: i32) -> (i32, i32, i32) {
    %c0_i32 = arith.constant 0 : i32
    %c0_i32_0 = arith.constant 0 : i32
    %c0_i32_1 = arith.constant 0 : i32
    return %c0_i32, %arg0, %c0_i32_0 : i32, i32, i32
  }
  func.func @transform_5(%arg0: i32) -> (i32, i32) {
    %c0_i32 = arith.constant 0 : i32
    %c0_i32_0 = arith.constant 0 : i32
    return %arg0, %c0_i32 : i32, i32
  }
}

</mosaic_0001>

<sc_bundles>
// kernel: kernel.6.cloned.1.call-start
scs
__scs_entry_jumppad:
0x0: {  	(pc) =	sbr.rel $0x88, $3  }
0x1: {  	(tag) =	ssettag $0x0;
	lr =	simm.s32 $0x1  }
0x2: {  	[smem:$0x3F9A] =	sst lr;
	_ =	strace $0xD0000000  }
0x3: {  	_ = 	snop  }
0x4: {  	_ = 	snop  }
0x5: {  	_ = 	snop  }
0x6: {  	_ = 	snop  }
0x7: {  	_ = 	snop  }
__scs_overlays_trampoline_lowered:
0x8: {  	[smem:$0x3FA9] =	sst s0  }
0x9: {  	[smem:$0x3FAA] =	sst s1  }
0xa: {  	[smem:$0x3FAB] =	sst s2  }
0xb: {  	[smem:$0x3FAC] =	sst s3  }
0xc: {  	[smem:$0x3FAD] =	sst s4  }
0xd: {  	[smem:$0x3FAE] =	sst s5  }
0xe: {  	[smem:$0x3FAF] =	sst s6  }
0xf: {  	[smem:$0x3FB0] =	sst s7  }
0x10: {  	[smem:$0x3FB1] =	sst s8  }
0x11: {  	[smem:$0x3FB2] =	sst s9;
	s0 =	simm.s32 @!p0 $0x0  }
0x12: {  	s1 =	sld [smem:$0x3F98];
	s0 =	simm.s32 @p0 $0x1  }
0x13: {  	[smem:$0x3FB3] =	sst s0;
	s0 =	simm.s32 @!p1 $0x0  }
0x14: {  	s2 =	sld [smem:$0x3F97];
	s0 =	simm.s32 @p1 $0x1  }
0x15: {  	[smem:$0x3FB4] =	sst s0;
	s0 =	simm.s32 @!p2 $0x0  }
0x16: {  	s3 =	sld [smem:$0x3FDB];
	s0 =	simm.s32 @p2 $0x1  }
0x17: {  	s4 =	simm.s32 $0x1BF5;
	[smem:$0x3FB6] =	sst s0  }
0x18: {  	s0 =	sld [smem:$0x3F99];
	_ =	swait.ge [sflag:s4], $0x0  }
0x19: {  	s7 =	sld [smem:$0x3F9A]  }
0x1a: {  	s8 =	sadd.s32 $0xFFFFE003, lr  }
0x1b: {  	s9 =	sadd.s32 $0xFFFFFEF7, lr;
	s5 =	simm.s32 $0xFFFFFFFF;
	p2 =	slt.u32 s8, $0xFFFFF086  }
0x1c: {  	p1 =	slt.u32 s9, $0xF7A;
	s5 =	simm.s32 @!p2 $0x0  }
0x1d: {  	s5 =	simm.s32 @p1 $0x1;
	p0 =	seq.s32 s7, s2  }
0x1e: {  	s7 =	smul.u32 @!p0 $0xF7A, s2;
	p2 =	seq.s32 @!p0 s5, $0x0  }
0x1f: {  	s9 =	smul.u32 $0xF7A, s1;
	s8 =	simm.s32 @!p0 $0x1BF5;
	p2 =	por !p2, p0  }
0x20: {  	[sflag:s8] =	ssyncset.s32 @!p0 $0xFFFFF086;
	s6 =	sadd.s32 @!p0 s3, s7;
	s7 =	simm.s32 @!p0 $0x108  }
0x21: {  	s3 =	sadd.s32 s3, s9;
	s6 =	sadd.s32 @!p0 $0x88, s6;
	s7 =	simm.s32 @p2 $0x1082  }
0x22: {  	[simem:s7], [sflag:s8] =	dma.local @!p0 [hbm:s6], $0xF7A  }
0x23: {  	s9 =	sor.u32 $0xD0000000, s2;
	s6 =	simm.s32 $0x108;
	_ =	swait.ge @!p0 [sflag:s8], $0x0  }
0x24: {  	s3 =	sadd.s32 $0x88, s3;
	s6 =	simm.s32 @!p1 $0x1082;
	[sflag:s4] =	ssyncset.s32 $0xFFFFF086  }
0x25: {  	[simem:s6], [sflag:s4] =	dma.local [hbm:s3], $0xF7A  }
0x26: {  	[smem:$0x3F9A] =	sst s1;
	(tag) =	ssettag s2;
	_ =	strace s9  }
0x27: {  	s1 =	sld [smem:$0x3FAA]  }
0x28: {  	s2 =	sld [smem:$0x3FAB]  }
0x29: {  	s4 =	sld [smem:$0x3FAD]  }
0x2a: {  	p0 =	seq.s32 s5, $0x0;
	s5 =	sld [smem:$0x3FAE]  }
0x2b: {  	s6 =	sld [smem:$0x3FAF]  }
0x2c: {  	s7 =	sld [smem:$0x3FB0]  }
0x2d: {  	s3 =	simm.s32 $0x108;
	s8 =	sld [smem:$0x3FB1]  }
0x2e: {  	s3 =	simm.s32 @!p0 $0x1082;
	s9 =	sld [smem:$0x3FB2]  }
0x2f: {  	lr =	sadd.s32 s0, s3;
	s0 =	sld [smem:$0x3FA9]  }
0x30: {  	s3 =	sld [smem:$0x3FAC]  }
0x31: {  	[smem:$0x3FB5] =	sst s10  }
0x32: {  	s10 =	sld [smem:$0x3FB3];
	_ =	sdelay $0x3  }
0x33: {  	p0 =	seq.s32 s10, $0x1;
	s10 =	sld [smem:$0x3FB5];
	_ =	sdelay $0x3  }
0x34: {  	[smem:$0x3FB5] =	sst s10  }
0x35: {  	s10 =	sld [smem:$0x3FB4];
	_ =	sdelay $0x3  }
0x36: {  	p1 =	seq.s32 s10, $0x1;
	s10 =	sld [smem:$0x3FB5];
	_ =	sdelay $0x3  }
0x37: {  	[smem:$0x3FB5] =	sst s10  }
0x38: {  	s10 =	sld [smem:$0x3FB6]  }
0x39: {  	_ = 	snop;
	(pc) =	sbr.ind lr, $3  }
0x3a: {  	_ = 	snop  }
0x3b: {  	_ = 	snop  }
0x3c: {  	p2 =	seq.s32 s10, $0x1;
	s10 =	sld [smem:$0x3FB5]  }
0x3d: {  	_ =	shalt  }
0x3e: {  	_ =	shalt  }
0x3f: {  	_ =	shalt  }
0x40: {  	_ =	shalt  }
0x41: {  	_ =	shalt  }
0x42: {  	_ =	shalt  }
0x43: {  	_ =	shalt  }
0x44: {  	_ =	shalt  }
0x45: {  	_ =	shalt  }
0x46: {  	_ =	shalt  }
0x47: {  	_ =	shalt  }
0x48: {  	_ =	shalt  }
0x49: {  	_ =	shalt  }
0x4a: {  	_ =	shalt  }
0x4b: {  	_ =	shalt  }
0x4c: {  	_ =	shalt  }
0x4d: {  	_ =	shalt  }
0x4e: {  	_ =	shalt  }
0x4f: {  	_ =	shalt  }
0x50: {  	_ =	shalt  }
0x51: {  	_ =	shalt  }
0x52: {  	_ =	shalt  }
0x53: {  	_ =	shalt  }
0x54: {  	_ =	shalt  }
0x55: {  	_ =	shalt  }
0x56: {  	_ =	shalt  }
0x57: {  	_ =	shalt  }
0x58: {  	_ =	shalt  }
0x59: {  	_ =	shalt  }
0x5a: {  	_ =	shalt  }
0x5b: {  	_ =	shalt  }
0x5c: {  	_ =	shalt  }
0x5d: {  	_ =	shalt  }
0x5e: {  	_ =	shalt  }
0x5f: {  	_ =	shalt  }
0x60: {  	_ =	shalt  }
0x61: {  	_ =	shalt  }
0x62: {  	_ =	shalt  }
0x63: {  	_ =	shalt  }
0x64: {  	_ =	shalt  }
0x65: {  	_ =	shalt  }
0x66: {  	_ =	shalt  }
0x67: {  	_ =	shalt  }
0x68: {  	_ =	shalt  }
0x69: {  	_ =	shalt  }
0x6a: {  	_ =	shalt  }
0x6b: {  	_ =	shalt  }
0x6c: {  	_ =	shalt  }
0x6d: {  	_ =	shalt  }
0x6e: {  	_ =	shalt  }
0x6f: {  	_ =	shalt  }
0x70: {  	_ =	shalt  }
0x71: {  	_ =	shalt  }
0x72: {  	_ =	shalt  }
0x73: {  	_ =	shalt  }
0x74: {  	_ =	shalt  }
0x75: {  	_ =	shalt  }
0x76: {  	_ =	shalt  }
0x77: {  	_ =	shalt  }
0x78: {  	_ =	shalt  }
0x79: {  	_ =	shalt  }
0x7a: {  	_ =	shalt  }
0x7b: {  	_ =	shalt  }
0x7c: {  	_ =	shalt  }
0x7d: {  	_ =	shalt  }
0x7e: {  	_ =	shalt  }
0x7f: {  	_ =	shalt  }
0x80: {  	_ =	shalt  }
0x81: {  	_ =	shalt  }
0x82: {  	_ =	shalt  }
0x83: {  	_ =	shalt  }
0x84: {  	_ =	shalt  }
0x85: {  	_ =	shalt  }
0x86: {  	_ =	shalt  }
0x87: {  	_ =	shalt  }
.Lfunc_end0:
.L_simem_size_0:
called_computation_lowered:
.L_overlay_start_0:
0x88: {  	s2 =	sld [smem:$0x3FD9]  }
0x89: {  	s3 =	sld [smem:$0x3FFE];
	_ =	sdelay $0x1  }
0x8a: {  	s1 =	srdreg.scid  }
0x8b: {  	s0 =	sand.u32 $0x1, s1  }
0x8c: {  	s17 =	sshll.u32 s0, $0xA;
	s2 =	sadd.s32 s3, s2  }
0x8d: {  	s2 =	sadd.s32 s2, s17  }
0x8e: {  	[smem:$0x3FC1] =	sst s2  }
0x8f: {  	_ = 	snop  }
0x90: {  	s2 =	sld [smem:$0x3FD0];
	(tm) =	ssettm $0x1  }
0x91: {  	s18 =	sld [smem:$0x3FFB];
	_ =	sdelay $0x3  }
0x92: {  	_ =	strace s18  }
0x93: {  	s3 =	sld [smem:$0x3FFC];
	_ =	sdelay $0x3  }
0x94: {  	_ =	strace s3  }
0x95: {  	s3 =	sld [smem:$0x3FFD];
	_ =	sdelay $0x3  }
0x96: {  	_ =	strace s3  }
0x97: {  	_ =	strace $0x8FFFFFFF  }
0x98: {  	s19 =	sld [smem:$0x3FDB];
	_ =	sdelay $0x1  }
0x99: {  	s4 =	simm.s32 $_scs_section_size  }
0x9a: {  	s5 =	simm.s32 $_size__tile_overlayer_lowered;
	s6 =	simm.s32 $_tile_overlayer_lowered  }
0x9b: {  	s22 =	simm.s32 $0x1BFF;
	s21 =	sshll.u32 s6, $0x1;
	s3 =	sadd.s32 s4, s19  }
0x9c: {  	s7 =	simm.s32 $0x0;
	s20 =	sshll.u32 s5, $0x1;
	s5 =	sadd.s32 s21, s3  }
0x9d: {  	[timem:s7], [sflag:s22] =	dma.local [hbm:s5], s20  }
0x9e: {  	_ =	swait.ge [sflag:s22], s20  }
0x9f: {  	s4 =	ssub.s32 $0x0, s20;
	[sflag:s22] =	ssyncset.done $0x0  }
0xa0: {  	[sflag:s22] =	ssyncadd.s32 s4;
	_ =	sdelay $0x1  }
0xa1: {  	s23 =	simm.s32 $0x1B8B  }
0xa2: {  	_ =	swait.ge [sflag:s23], $0x1  }
0xa3: {  	[sflag:s23] =	ssyncset.done $0x0  }
0xa4: {  	s25 =	simm.s32 $0x1B8E;
	s24 =	sld [smem:$0x3FFE];
	[sflag:s23] =	ssyncadd.s32 $0xFFFFFFFF  }
0xa5: {  	s26 =	simm.s32 $execute0_lowered;
	[smem:$0x3FD2] =	sst s25  }
0xa6: {  	s5 =	sshll.u32 s26, $0x1;
	_ =	strace $0x80000046;
	[dreg:$0x1] =	wrdreg $0xFFFFFFFF  }
0xa7: {  	s28 =	simm.s32 $_size_execute0_lowered;
	s3 =	sadd.s32 s3, s5;
	[dreg:$0x0] =	wrdreg $0x0  }
0xa8: {  	s5 =	sshll.u32 s28, $0x1;
	[dreg:$0x2] =	wrdreg s3  }
0xa9: {  	[dreg:$0x3] =	wrdreg s5  }
0xaa: {  	[dreg:$0x4] =	wrdreg $0xC0  }
0xab: {  	_ =	task [dreg:s7], $0x5FFFF  }
0xac: {  	[dreg:$0x1] =	wrdreg $0xFFFFFFFF  }
0xad: {  	[dreg:$0x0] =	wrdreg $0x60  }
0xae: {  	[dreg:$0x2] =	wrdreg s24  }
0xaf: {  	[dreg:$0x3] =	wrdreg s2  }
0xb0: {  	[dreg:$0x4] =	wrdreg $0x0  }
0xb1: {  	[dreg:$0x5] =	wrdreg $0x9  }
0xb2: {  	_ =	task.clear_ibuf [dreg:s7], $0x6FFFF;
	_ =	strace $0x90000046  }
0xb3: {  	s29 =	simm.s32 $0x9;
	_ =	strace $0x80000048  }
0xb4: {  	_ =	swait.ge [sflag:s29], $0x1  }
0xb5: {  	[sflag:s29] =	ssyncadd.s32 $0xFFFFFFFF  }
0xb6: {  	_ =	strace $0x90000048  }
0xb7: {  	_ =	sfence  }
0xb8: {  	s30 =	sld [smem:$0x0];
	_ =	sdelay $0x2  }
0xb9: {  	s31 =	sshll.u32 s1, $0xD;
	s1 =	sshrl.u32 s1, $0x2  }
0xba: {  	s3 =	sand.u32 $0x4000, s31;
	s1 =	sadd.s32 s1, s30  }
0xbb: {  	s0 =	sor.u32 s3, s0;
	s1 =	sshll.u32 s1, $0x11  }
0xbc: {  	s0 =	sor.u32 s1, s0  }
0xbd: {  	s0 =	sadd.s32 $0x8F2B, s0  }
0xbe: {  	[sflag:s0] =	ssyncadd.remote.s32 $0x1  }
0xbf: {  	_ =	sfence.sel $0xFFFF  }
0xc0: {  	[dreg:$0x0] =	wrdreg $0xFFFFFFFF;
	(pc) =	sbr.abs _section_cstart, $3  }
0xc1: {  	[dreg:$0x1] =	wrdreg $0xFFFFFFFF  }
0xc2: {  	_ =	task.clear_ibuf [dreg:s7], $0x2FFFF;
	_ =	strace $0x9FFFFFFF  }
0xc3: {  	(tm) =	ssettm $0x7FFFFFFF  }
tec
execute0_lowered:
.L_overlay_start_1:
0x0: {  	(tag) =	ssettag $0x1  }
0x1: {  	s9 =	rddreg [dreg:$0x0]  }
0x2: {  	s1 =	rddreg [dreg:$0x1]  }
0x3: {  	s2 =	rddreg [dreg:$0x2];
	s3 =	srdreg.scid  }
0x4: {  	s0 =	rddreg [dreg:$0x3];
	s4 =	simm.s32 $0x0;
	s14 =	simm.s32 $0x2  }
0x5: {  	s15 =	simm.s32 $0x14000;
	s16 =	simm.s32 $0x14080;
	s17 =	simm.s32 $0x14100  }
0x6: {  	s18 =	simm.s32 $0x80;
	s19 =	simm.s32 $0x14180;
	s20 =	simm.s32 $0x1  }
0x7: {  	s10 =	sand.u32 $0x1, s3;
	s3 =	stileid.u32;
	[smem:$0x7FF] =	sst s4  }
0x8: {  	s5 =	sadd.s32 $0xB400, s9;
	s6 =	sadd.s32 $0x1600, s9;
	s8 =	smul.u32 $0x140000, s10  }
0x9: {  	s7 =	sadd.s32 $0xA7800, s9;
	s11 =	smul.u32 $0x14000, s3;
	_ =	strace $0x80000047  }
0xa: {  	v0 =	vimm.s32 $0x0;
	s12 =	ssub.s32 $0x2, s10;
	s13 =	smul.u32 $0x50000, s3;
	s30 =	sshll.u32 s3, $0x1  }
0xb: {  	v1 =	vimm.s32 $0x1;
	v2 =	vimm.s32 $0x2;
	v3 =	vimm.s32 $0x3;
	s31 =	sshll.u32 s3, $0x6;
	s29 =	sshrl.u32 s12, $0x1;
	s10 =	sor.u32 s10, s30  }
0xc: {  	v4 =	vimm.s32 $0x4;
	v5 =	vimm.s32 $0x5;
	v6 =	vimm.s32 $0x6;
	s8 =	sadd.s32 s11, s8;
	s12 =	ssub.s32 s12, s29;
	s13 =	sshrl.u32 s13, $0x2  }
0xd: {  	v7 =	vimm.s32 $0x7;
	v8 =	vimm.s32 $0x8;
	v9 =	vimm.s32 $0x9;
	s10 =	smul.u32 $0x4F, s10;
	s11 =	sshrl.u32 s8, $0x3;
	s8 =	sadd.s32 $0xB1600, s9  }
0xe: {  	v10 =	vimm.s32 $0xA;
	v11 =	vimm.s32 $0xB;
	v12 =	vimm.s32 $0xC;
	s13 =	sadd.s32 s13, s2;
	s12 =	smax.u32 s12, $0x1;
	s11 =	sadd.s32 s11, s9  }
0xf: {  	v13 =	vimm.s32 $0xD;
	v14 =	vimm.s32 $0xE;
	v15 =	vimm.s32 $0xF;
	s9 =	sor.u32 $0x1C02, s31;
	s13 =	sshrl.u32 s13, $0x3;
	s11 =	sadd.s32 $0xB3E00, s11  }
.LBB2_1:
0x10: {  	[spmem:s13], [sflag:s9] =	dma.local [hbm:s8], $0x2800  }
0x11: {  	_ =	swait.ge [sflag:s14], $0x2800  }
0x12: {  	[sflag:s14] =	ssyncset.done $0x0  }
0x13: {  	[sflag:s14] =	ssyncadd.s32 $0xFFFFD800  }
0x14: {  	s21 =	simm.s32 $0x0;
	[bflag:$0x0] =	sbarrier.arrive $0xFFFF  }
.LBB2_2:
0x15: {  	s22 =	sadd.s32 s10, s21  }
0x16: {  	s23 =	sshll.u32 s22, $0x4  }
0x17: {  	s22 =	simm.s32 $0x0;
	s24 =	sadd.s32 s1, s23  }
0x18: {  	[tilespmem:s15], [sflag:$0x2] =	stream.linear.gather [hbm4b:s24+s22], $0x80, $0x38;
	[tilespmem:$0x18180] =	vst v63  }
0x19: {  	_ =	swait.ge [sflag:s14], $0x80  }
0x1a: {  	[sflag:s14] =	ssyncset.done $0x0  }
0x1b: {  	s31 =	sadd.s32 s6, s23;
	[sflag:s14] =	ssyncadd.s32 $0xFFFFFF80  }
0x1c: {  	[tilespmem:s16], [sflag:$0x2] =	stream.linear.gather [hbm4b:s31+s22], $0x80, $0x38;
	[tilespmem:$0x18180] =	vst v63  }
0x1d: {  	_ =	swait.ge [sflag:s14], $0x80  }
0x1e: {  	[sflag:s14] =	ssyncset.done $0x0  }
0x1f: {  	s23 =	sadd.s32 s7, s23;
	[sflag:s14] =	ssyncadd.s32 $0xFFFFFF80  }
0x20: {  	[tilespmem:s17], [sflag:$0x2] =	stream.linear.gather [hbm4b:s23+s22], $0x80, $0x38;
	[tilespmem:$0x18180] =	vst v63  }
0x21: {  	_ =	swait.ge [sflag:s14], $0x80  }
0x22: {  	[sflag:s14] =	ssyncset.done $0x0  }
0x23: {  	[sflag:s14] =	ssyncadd.s32 $0xFFFFFF80  }
0x24: {  	[tilespmem:s19], [sflag:$0x1] =	stream.indirect.gather [hbm4b:s5+s18], $0x80, s15, s18, $0xb8;
	[tilespmem:$0x18180] =	vst v63  }
0x25: {  	_ =	swait.ge [sflag:s20], $0x4000  }
0x26: {  	[sflag:s20] =	ssyncset.done $0x0  }
0x27: {  	[sflag:s20] =	ssyncadd.s32 $0xFFFFC000  }
.LBB2_3:
0x28: {  	s23 =	sshll.u32 s22, $0x4  }
0x29: {  	s23 =	sand.u32 $0x3FFFFFF0, s23  }
0x2a: {  	s31 =	sshll.u32 s22, $0xB;
	v16 =	vld [tilespmem:s23+$0x14100]  }
0x2b: {  	s23 =	sand.u32 $0x3FFFF800, s31  }
0x2c: {  	v17 =	vld [tilespmem:s23+$0x14180]  }
0x2d: {  	v18 =	vld [tilespmem:s23+$0x14190]  }
0x2e: {  	v19 =	vld [tilespmem:s23+$0x141A0]  }
0x2f: {  	v21 =	vld [tilespmem:s23+$0x141B0];
	v20 =	vperm.xlane v16, v0  }
0x30: {  	v22 =	vld [tilespmem:s23+$0x141C0]  }
0x31: {  	v23 =	vld [tilespmem:s23+$0x141D0];
	v17 =	vmul.f32 v17, v20  }
0x32: {  	v24 =	vld [tilespmem:s23+$0x141E0];
	v18 =	vmul.f32 v18, v20  }
0x33: {  	v48 =	vld [tilespmem:s23+$0x141F0];
	[tilespmem:s23+$0x14180] =	vst v17;
	v17 =	vmul.f32 v19, v20  }
0x34: {  	v50 =	vld [tilespmem:s23+$0x14200];
	v49 =	vmul.f32 v21, v20;
	[tilespmem:s23+$0x14190] =	vst v18  }
0x35: {  	v51 =	vld [tilespmem:s23+$0x14210];
	[tilespmem:s23+$0x141A0] =	vst v17;
	v17 =	vmul.f32 v22, v20  }
0x36: {  	v53 =	vld [tilespmem:s23+$0x14220];
	v52 =	vmul.f32 v23, v20;
	[tilespmem:s23+$0x141B0] =	vst v49  }
0x37: {  	v25 =	vld [tilespmem:s23+$0x14230];
	v54 =	vperm.xlane v16, v1;
	[tilespmem:s23+$0x141C0] =	vst v17;
	v17 =	vmul.f32 v24, v20  }
0x38: {  	v56 =	vld [tilespmem:s23+$0x14240];
	v55 =	vmul.f32 v48, v20;
	[tilespmem:s23+$0x141D0] =	vst v52  }
0x39: {  	v57 =	vld [tilespmem:s23+$0x14250];
	[tilespmem:s23+$0x141E0] =	vst v17;
	v17 =	vmul.f32 v50, v54  }
0x3a: {  	v59 =	vld [tilespmem:s23+$0x14260];
	v58 =	vmul.f32 v51, v54;
	[tilespmem:s23+$0x141F0] =	vst v55  }
0x3b: {  	v60 =	vld [tilespmem:s23+$0x14270];
	[tilespmem:s23+$0x14200] =	vst v17;
	v17 =	vmul.f32 v53, v54  }
0x3c: {  	v62 =	vld [tilespmem:s23+$0x14280];
	v61 =	vmul.f32 v25, v54;
	[tilespmem:s23+$0x14210] =	vst v58  }
0x3d: {  	v63 =	vld [tilespmem:s23+$0x14290];
	[tilespmem:s23+$0x14220] =	vst v17;
	v17 =	vmul.f32 v56, v54  }
0x3e: {  	v29 =	vld [tilespmem:s23+$0x142A0];
	v28 =	vmul.f32 v57, v54;
	[tilespmem:s23+$0x14230] =	vst v61  }
0x3f: {  	v31 =	vld [tilespmem:s23+$0x142B0];
	v30 =	vperm.xlane v16, v2;
	[tilespmem:s23+$0x14240] =	vst v17;
	v17 =	vmul.f32 v59, v54  }
0x40: {  	v33 =	vld [tilespmem:s23+$0x142C0];
	v32 =	vmul.f32 v60, v54;
	[tilespmem:s23+$0x14250] =	vst v28  }
0x41: {  	v34 =	vld [tilespmem:s23+$0x142D0];
	[tilespmem:s23+$0x14260] =	vst v17;
	v17 =	vmul.f32 v62, v30  }
0x42: {  	v36 =	vld [tilespmem:s23+$0x142E0];
	v35 =	vmul.f32 v63, v30;
	[tilespmem:s23+$0x14270] =	vst v32  }
0x43: {  	v37 =	vld [tilespmem:s23+$0x142F0];
	[tilespmem:s23+$0x14280] =	vst v17;
	v17 =	vmul.f32 v29, v30  }
0x44: {  	v39 =	vld [tilespmem:s23+$0x14300];
	v38 =	vmul.f32 v31, v30;
	[tilespmem:s23+$0x14290] =	vst v35  }
0x45: {  	v40 =	vld [tilespmem:s23+$0x14310];
	[tilespmem:s23+$0x142A0] =	vst v17;
	v17 =	vmul.f32 v33, v30  }
0x46: {  	v42 =	vld [tilespmem:s23+$0x14320];
	v41 =	vmul.f32 v34, v30;
	[tilespmem:s23+$0x142B0] =	vst v38  }
0x47: {  	v44 =	vld [tilespmem:s23+$0x14330];
	v43 =	vperm.xlane v16, v3;
	[tilespmem:s23+$0x142C0] =	vst v17;
	v17 =	vmul.f32 v36, v30  }
0x48: {  	v46 =	vld [tilespmem:s23+$0x14340];
	v45 =	vmul.f32 v37, v30;
	[tilespmem:s23+$0x142D0] =	vst v41  }
0x49: {  	v50 =	vld [tilespmem:s23+$0x14370];
	[tilespmem:s23+$0x142E0] =	vst v17;
	v17 =	vmul.f32 v39, v43  }
0x4a: {  	v48 =	vmul.f32 v40, v43;
	[tilespmem:s23+$0x142F0] =	vst v45;
	v49 =	vld [tilespmem:s23+$0x14360]  }
0x4b: {  	v47 =	vld [tilespmem:s23+$0x14350];
	[tilespmem:s23+$0x14300] =	vst v17;
	v17 =	vmul.f32 v42, v43  }
0x4c: {  	v51 =	vmul.f32 v44, v43;
	[tilespmem:s23+$0x14310] =	vst v48;
	v52 =	vld [tilespmem:s23+$0x14380]  }
0x4d: {  	v57 =	vld [tilespmem:s23+$0x143B0];
	[tilespmem:s23+$0x14320] =	vst v17;
	v17 =	vmul.f32 v46, v43  }
0x4e: {  	[tilespmem:s23+$0x14330] =	vst v51;
	v55 =	vld [tilespmem:s23+$0x143A0];
	v58 =	vmul.f32 v50, v43  }
0x4f: {  	v60 =	vld [tilespmem:s23+$0x143D0];
	v56 =	vperm.xlane v16, v4;
	[tilespmem:s23+$0x14340] =	vst v17;
	v17 =	vmul.f32 v49, v43  }
0x50: {  	v54 =	vmul.f32 v47, v43;
	v59 =	vld [tilespmem:s23+$0x143C0];
	[tilespmem:s23+$0x14370] =	vst v58  }
0x51: {  	v63 =	vld [tilespmem:s23+$0x143F0];
	[tilespmem:s23+$0x14360] =	vst v17;
	v17 =	vmul.f32 v52, v56  }
0x52: {  	v28 =	vmul.f32 v57, v56;
	[tilespmem:s23+$0x14350] =	vst v54;
	v62 =	vld [tilespmem:s23+$0x143E0]  }
0x53: {  	v53 =	vld [tilespmem:s23+$0x14390];
	[tilespmem:s23+$0x14380] =	vst v17;
	v17 =	vmul.f32 v55, v56  }
0x54: {  	v31 =	vmul.f32 v60, v56;
	[tilespmem:s23+$0x143B0] =	vst v28;
	v29 =	vld [tilespmem:s23+$0x14400]  }
0x55: {  	v34 =	vld [tilespmem:s23+$0x14430];
	[tilespmem:s23+$0x143A0] =	vst v17;
	v17 =	vmul.f32 v59, v56  }
0x56: {  	v32 =	vld [tilespmem:s23+$0x14420];
	v35 =	vmul.f32 v63, v56;
	[tilespmem:s23+$0x143D0] =	vst v31  }
0x57: {  	v37 =	vld [tilespmem:s23+$0x14450];
	v33 =	vperm.xlane v16, v5;
	[tilespmem:s23+$0x143C0] =	vst v17;
	v17 =	vmul.f32 v62, v56  }
0x58: {  	v61 =	vmul.f32 v53, v56;
	[tilespmem:s23+$0x143F0] =	vst v35;
	v36 =	vld [tilespmem:s23+$0x14440]  }
0x59: {  	v40 =	vld [tilespmem:s23+$0x14470];
	[tilespmem:s23+$0x143E0] =	vst v17;
	v17 =	vmul.f32 v29, v33  }
0x5a: {  	[tilespmem:s23+$0x14390] =	vst v61;
	v41 =	vmul.f32 v34, v33;
	v39 =	vld [tilespmem:s23+$0x14460]  }
0x5b: {  	v30 =	vld [tilespmem:s23+$0x14410];
	[tilespmem:s23+$0x14400] =	vst v17;
	v17 =	vmul.f32 v32, v33  }
0x5c: {  	v44 =	vmul.f32 v37, v33;
	[tilespmem:s23+$0x14430] =	vst v41;
	v42 =	vld [tilespmem:s23+$0x14480]  }
0x5d: {  	v47 =	vld [tilespmem:s23+$0x144B0];
	[tilespmem:s23+$0x14420] =	vst v17;
	v17 =	vmul.f32 v36, v33  }
0x5e: {  	v45 =	vld [tilespmem:s23+$0x144A0];
	v48 =	vmul.f32 v40, v33;
	[tilespmem:s23+$0x14450] =	vst v44  }
0x5f: {  	v50 =	vld [tilespmem:s23+$0x144D0];
	v46 =	vperm.xlane v16, v6;
	[tilespmem:s23+$0x14440] =	vst v17;
	v17 =	vmul.f32 v39, v33  }
0x60: {  	[tilespmem:s23+$0x14470] =	vst v48;
	v38 =	vmul.f32 v30, v33;
	v49 =	vld [tilespmem:s23+$0x144C0]  }
0x61: {  	v53 =	vld [tilespmem:s23+$0x144F0];
	[tilespmem:s23+$0x14460] =	vst v17;
	v17 =	vmul.f32 v42, v46  }
0x62: {  	[tilespmem:s23+$0x14410] =	vst v38;
	v54 =	vmul.f32 v47, v46;
	v52 =	vld [tilespmem:s23+$0x144E0]  }
0x63: {  	v43 =	vld [tilespmem:s23+$0x14490];
	[tilespmem:s23+$0x14480] =	vst v17;
	v17 =	vmul.f32 v45, v46  }
0x64: {  	v57 =	vmul.f32 v50, v46;
	[tilespmem:s23+$0x144B0] =	vst v54;
	v55 =	vld [tilespmem:s23+$0x14500]  }
0x65: {  	v60 =	vld [tilespmem:s23+$0x14530];
	[tilespmem:s23+$0x144A0] =	vst v17;
	v17 =	vmul.f32 v49, v46  }
0x66: {  	v58 =	vld [tilespmem:s23+$0x14520];
	v61 =	vmul.f32 v53, v46;
	[tilespmem:s23+$0x144D0] =	vst v57  }
0x67: {  	v63 =	vld [tilespmem:s23+$0x14550];
	v59 =	vperm.xlane v16, v7;
	[tilespmem:s23+$0x144C0] =	vst v17;
	v17 =	vmul.f32 v52, v46  }
0x68: {  	[tilespmem:s23+$0x144F0] =	vst v61;
	v51 =	vmul.f32 v43, v46;
	v62 =	vld [tilespmem:s23+$0x14540]  }
0x69: {  	v30 =	vld [tilespmem:s23+$0x14570];
	[tilespmem:s23+$0x144E0] =	vst v17;
	v17 =	vmul.f32 v55, v59  }
0x6a: {  	[tilespmem:s23+$0x14490] =	vst v51;
	v31 =	vmul.f32 v60, v59;
	v29 =	vld [tilespmem:s23+$0x14560]  }
0x6b: {  	v56 =	vld [tilespmem:s23+$0x14510];
	[tilespmem:s23+$0x14500] =	vst v17;
	v17 =	vmul.f32 v58, v59  }
0x6c: {  	v34 =	vmul.f32 v63, v59;
	[tilespmem:s23+$0x14530] =	vst v31;
	v32 =	vld [tilespmem:s23+$0x14580]  }
0x6d: {  	v37 =	vld [tilespmem:s23+$0x145B0];
	[tilespmem:s23+$0x14520] =	vst v17;
	v17 =	vmul.f32 v62, v59  }
0x6e: {  	v35 =	vld [tilespmem:s23+$0x145A0];
	v38 =	vmul.f32 v30, v59;
	[tilespmem:s23+$0x14550] =	vst v34  }
0x6f: {  	v40 =	vld [tilespmem:s23+$0x145D0];
	v36 =	vperm.xlane v16, v8;
	[tilespmem:s23+$0x14540] =	vst v17;
	v17 =	vmul.f32 v29, v59  }
0x70: {  	[tilespmem:s23+$0x14570] =	vst v38;
	v28 =	vmul.f32 v56, v59;
	v39 =	vld [tilespmem:s23+$0x145C0]  }
0x71: {  	v43 =	vld [tilespmem:s23+$0x145F0];
	[tilespmem:s23+$0x14560] =	vst v17;
	v17 =	vmul.f32 v32, v36  }
0x72: {  	[tilespmem:s23+$0x14510] =	vst v28;
	v44 =	vmul.f32 v37, v36;
	v42 =	vld [tilespmem:s23+$0x145E0]  }
0x73: {  	v33 =	vld [tilespmem:s23+$0x14590];
	[tilespmem:s23+$0x14580] =	vst v17;
	v17 =	vmul.f32 v35, v36  }
0x74: {  	v47 =	vmul.f32 v40, v36;
	[tilespmem:s23+$0x145B0] =	vst v44;
	v45 =	vld [tilespmem:s23+$0x14600]  }
0x75: {  	v50 =	vld [tilespmem:s23+$0x14630];
	[tilespmem:s23+$0x145A0] =	vst v17;
	v17 =	vmul.f32 v39, v36  }
0x76: {  	v48 =	vld [tilespmem:s23+$0x14620];
	v51 =	vmul.f32 v43, v36;
	[tilespmem:s23+$0x145D0] =	vst v47  }
0x77: {  	v53 =	vld [tilespmem:s23+$0x14650];
	v49 =	vperm.xlane v16, v9;
	[tilespmem:s23+$0x145C0] =	vst v17;
	v17 =	vmul.f32 v42, v36  }
0x78: {  	[tilespmem:s23+$0x145F0] =	vst v51;
	v41 =	vmul.f32 v33, v36;
	v52 =	vld [tilespmem:s23+$0x14640]  }
0x79: {  	v56 =	vld [tilespmem:s23+$0x14670];
	[tilespmem:s23+$0x145E0] =	vst v17;
	v17 =	vmul.f32 v45, v49  }
0x7a: {  	[tilespmem:s23+$0x14590] =	vst v41;
	v57 =	vmul.f32 v50, v49;
	v55 =	vld [tilespmem:s23+$0x14660]  }
0x7b: {  	v46 =	vld [tilespmem:s23+$0x14610];
	[tilespmem:s23+$0x14600] =	vst v17;
	v17 =	vmul.f32 v48, v49  }
0x7c: {  	v60 =	vmul.f32 v53, v49;
	[tilespmem:s23+$0x14630] =	vst v57;
	v58 =	vld [tilespmem:s23+$0x14680]  }
0x7d: {  	v63 =	vld [tilespmem:s23+$0x146B0];
	[tilespmem:s23+$0x14620] =	vst v17;
	v17 =	vmul.f32 v52, v49  }
0x7e: {  	v61 =	vld [tilespmem:s23+$0x146A0];
	v28 =	vmul.f32 v56, v49;
	[tilespmem:s23+$0x14650] =	vst v60  }
0x7f: {  	v30 =	vld [tilespmem:s23+$0x146D0];
	v62 =	vperm.xlane v16, v10;
	[tilespmem:s23+$0x14640] =	vst v17;
	v17 =	vmul.f32 v55, v49  }
0x80: {  	[tilespmem:s23+$0x14670] =	vst v28;
	v54 =	vmul.f32 v46, v49;
	v29 =	vld [tilespmem:s23+$0x146C0]  }
0x81: {  	v33 =	vld [tilespmem:s23+$0x146F0];
	[tilespmem:s23+$0x14660] =	vst v17;
	v17 =	vmul.f32 v58, v62  }
0x82: {  	[tilespmem:s23+$0x14610] =	vst v54;
	v34 =	vmul.f32 v63, v62;
	v32 =	vld [tilespmem:s23+$0x146E0]  }
0x83: {  	v59 =	vld [tilespmem:s23+$0x14690];
	[tilespmem:s23+$0x14680] =	vst v17;
	v17 =	vmul.f32 v61, v62  }
0x84: {  	v37 =	vmul.f32 v30, v62;
	[tilespmem:s23+$0x146B0] =	vst v34;
	v35 =	vld [tilespmem:s23+$0x14700]  }
0x85: {  	v40 =	vld [tilespmem:s23+$0x14730];
	[tilespmem:s23+$0x146A0] =	vst v17;
	v17 =	vmul.f32 v29, v62  }
0x86: {  	v38 =	vld [tilespmem:s23+$0x14720];
	v41 =	vmul.f32 v33, v62;
	[tilespmem:s23+$0x146D0] =	vst v37  }
0x87: {  	v43 =	vld [tilespmem:s23+$0x14750];
	v39 =	vperm.xlane v16, v11;
	[tilespmem:s23+$0x146C0] =	vst v17;
	v17 =	vmul.f32 v32, v62  }
0x88: {  	[tilespmem:s23+$0x146F0] =	vst v41;
	v31 =	vmul.f32 v59, v62;
	v42 =	vld [tilespmem:s23+$0x14740]  }
0x89: {  	v46 =	vld [tilespmem:s23+$0x14770];
	[tilespmem:s23+$0x146E0] =	vst v17;
	v17 =	vmul.f32 v35, v39  }
0x8a: {  	[tilespmem:s23+$0x14690] =	vst v31;
	v47 =	vmul.f32 v40, v39;
	v45 =	vld [tilespmem:s23+$0x14760]  }
0x8b: {  	v36 =	vld [tilespmem:s23+$0x14710];
	[tilespmem:s23+$0x14700] =	vst v17;
	v17 =	vmul.f32 v38, v39  }
0x8c: {  	v50 =	vmul.f32 v43, v39;
	[tilespmem:s23+$0x14730] =	vst v47;
	v48 =	vld [tilespmem:s23+$0x14780]  }
0x8d: {  	v53 =	vld [tilespmem:s23+$0x147B0];
	[tilespmem:s23+$0x14720] =	vst v17;
	v17 =	vmul.f32 v42, v39  }
0x8e: {  	v51 =	vld [tilespmem:s23+$0x147A0];
	v54 =	vmul.f32 v46, v39;
	[tilespmem:s23+$0x14750] =	vst v50  }
0x8f: {  	v56 =	vld [tilespmem:s23+$0x147D0];
	v52 =	vperm.xlane v16, v12;
	[tilespmem:s23+$0x14740] =	vst v17;
	v17 =	vmul.f32 v45, v39  }
0x90: {  	[tilespmem:s23+$0x14770] =	vst v54;
	v44 =	vmul.f32 v36, v39;
	v55 =	vld [tilespmem:s23+$0x147C0]  }
0x91: {  	v59 =	vld [tilespmem:s23+$0x147F0];
	[tilespmem:s23+$0x14760] =	vst v17;
	v17 =	vmul.f32 v48, v52  }
0x92: {  	[tilespmem:s23+$0x14710] =	vst v44;
	v60 =	vmul.f32 v53, v52;
	v58 =	vld [tilespmem:s23+$0x147E0]  }
0x93: {  	v49 =	vld [tilespmem:s23+$0x14790];
	[tilespmem:s23+$0x14780] =	vst v17;
	v17 =	vmul.f32 v51, v52  }
0x94: {  	v63 =	vmul.f32 v56, v52;
	[tilespmem:s23+$0x147B0] =	vst v60;
	v61 =	vld [tilespmem:s23+$0x14800]  }
0x95: {  	v30 =	vld [tilespmem:s23+$0x14830];
	[tilespmem:s23+$0x147A0] =	vst v17;
	v17 =	vmul.f32 v55, v52  }
0x96: {  	v28 =	vld [tilespmem:s23+$0x14820];
	v31 =	vmul.f32 v59, v52;
	[tilespmem:s23+$0x147D0] =	vst v63  }
0x97: {  	v33 =	vld [tilespmem:s23+$0x14850];
	v29 =	vperm.xlane v16, v13;
	[tilespmem:s23+$0x147C0] =	vst v17;
	v17 =	vmul.f32 v58, v52  }
0x98: {  	[tilespmem:s23+$0x147F0] =	vst v31;
	v57 =	vmul.f32 v49, v52;
	v32 =	vld [tilespmem:s23+$0x14840]  }
0x99: {  	v36 =	vld [tilespmem:s23+$0x14870];
	[tilespmem:s23+$0x147E0] =	vst v17;
	v17 =	vmul.f32 v61, v29  }
0x9a: {  	[tilespmem:s23+$0x14790] =	vst v57;
	v37 =	vmul.f32 v30, v29;
	v35 =	vld [tilespmem:s23+$0x14860]  }
0x9b: {  	v62 =	vld [tilespmem:s23+$0x14810];
	[tilespmem:s23+$0x14800] =	vst v17;
	v17 =	vmul.f32 v28, v29  }
0x9c: {  	v40 =	vmul.f32 v33, v29;
	[tilespmem:s23+$0x14830] =	vst v37;
	v38 =	vld [tilespmem:s23+$0x14880]  }
0x9d: {  	v43 =	vld [tilespmem:s23+$0x148B0];
	[tilespmem:s23+$0x14820] =	vst v17;
	v17 =	vmul.f32 v32, v29  }
0x9e: {  	v41 =	vld [tilespmem:s23+$0x148A0];
	v44 =	vmul.f32 v36, v29;
	[tilespmem:s23+$0x14850] =	vst v40  }
0x9f: {  	v46 =	vld [tilespmem:s23+$0x148D0];
	v42 =	vperm.xlane v16, v14;
	[tilespmem:s23+$0x14840] =	vst v17;
	v17 =	vmul.f32 v35, v29  }
0xa0: {  	[tilespmem:s23+$0x14870] =	vst v44;
	v34 =	vmul.f32 v62, v29;
	v45 =	vld [tilespmem:s23+$0x148C0]  }
0xa1: {  	v49 =	vld [tilespmem:s23+$0x148F0];
	[tilespmem:s23+$0x14860] =	vst v17;
	v17 =	vmul.f32 v38, v42  }
0xa2: {  	[tilespmem:s23+$0x14810] =	vst v34;
	v50 =	vmul.f32 v43, v42;
	v48 =	vld [tilespmem:s23+$0x148E0]  }
0xa3: {  	v39 =	vld [tilespmem:s23+$0x14890];
	[tilespmem:s23+$0x14880] =	vst v17;
	v17 =	vmul.f32 v41, v42  }
0xa4: {  	v53 =	vmul.f32 v46, v42;
	[tilespmem:s23+$0x148B0] =	vst v50;
	v51 =	vld [tilespmem:s23+$0x14900]  }
0xa5: {  	v55 =	vld [tilespmem:s23+$0x14930];
	[tilespmem:s23+$0x148A0] =	vst v17;
	v17 =	vmul.f32 v45, v42  }
0xa6: {  	v54 =	vld [tilespmem:s23+$0x14920];
	v56 =	vmul.f32 v49, v42;
	[tilespmem:s23+$0x148D0] =	vst v53  }
0xa7: {  	v16 =	vperm.xlane v16, v15;
	v52 =	vld [tilespmem:s23+$0x14910];
	[tilespmem:s23+$0x148C0] =	vst v17;
	v17 =	vmul.f32 v48, v42  }
0xa8: {  	v57 =	vld [tilespmem:s23+$0x14940];
	[tilespmem:s23+$0x148F0] =	vst v56;
	v47 =	vmul.f32 v39, v42  }
0xa9: {  	v58 =	vld [tilespmem:s23+$0x14950];
	[tilespmem:s23+$0x148E0] =	vst v17;
	v17 =	vmul.f32 v51, v16  }
0xaa: {  	v60 =	vld [tilespmem:s23+$0x14960];
	[tilespmem:s23+$0x14890] =	vst v47;
	v62 =	vmul.f32 v55, v16  }
0xab: {  	v61 =	vld [tilespmem:s23+$0x14970];
	[tilespmem:s23+$0x14900] =	vst v17;
	v17 =	vmul.f32 v54, v16  }
0xac: {  	v59 =	vmul.f32 v52, v16;
	[tilespmem:s23+$0x14930] =	vst v62  }
0xad: {  	p0 =	sne.s32 s22, $0x7;
	[tilespmem:s23+$0x14920] =	vst v17;
	v17 =	vmul.f32 v57, v16  }
.Ltmp0:
0xae: {  	v63 =	vmul.f32 v58, v16;
	[tilespmem:s23+$0x14910] =	vst v59;
	(pc) =	sbr.rel @p0 .LBB2_3-.Ltmp0, $4  }
0xaf: {  	[tilespmem:s23+$0x14940] =	vst v17;
	v17 =	vmul.f32 v60, v16  }
0xb0: {  	[tilespmem:s23+$0x14950] =	vst v63;
	v16 =	vmul.f32 v61, v16  }
0xb1: {  	[tilespmem:s23+$0x14960] =	vst v17  }
0xb2: {  	s22 =	sadd.s32 $0x1, s22;
	[tilespmem:s23+$0x14970] =	vst v16  }
0xb3: {  	s21 =	sadd.s32 $0x1, s21  }
0xb4: {  	p0 =	sne.s32 s21, $0x4F  }
.Ltmp1:
0xb5: {  	_ = 	snop;
	(pc) =	sbr.rel @p0 .LBB2_2-.Ltmp1, $4  }
0xb6: {  	[spmem:s2] =	stream.indirect.scatter.add.f32 [tilespmem:s19], [sflag:$0x2], $0x80, s16, s18, $0xb8;
	[tilespmem:$0x18180] =	vst v63  }
0xb7: {  	_ =	swait.ge [sflag:s14], $0x4000  }
0xb8: {  	[sflag:s14] =	ssyncset.done $0x0  }
0xb9: {  	[sflag:s14] =	ssyncadd.s32 $0xFFFFC000  }
0xba: {  	s4 =	sadd.s32 $0x1, s4  }
0xbb: {  	p0 =	sne.s32 s4, s12  }
.Ltmp2:
0xbc: {  	[bflag:$0x0] =	sbarrier.arrive $0xFFFF;
	(pc) =	sbr.rel @p0 .LBB2_1-.Ltmp2, $4  }
0xbd: {  	[hbm:s11], [sflag:s9] =	dma.local [spmem:s13], $0x2800  }
0xbe: {  	_ =	swait.ge [sflag:s14], $0x2800  }
0xbf: {  	[sflag:s14] =	ssyncset.done $0x0  }
0xc0: {  	[sflag:s14] =	ssyncadd.s32 $0xFFFFD800  }
0xc1: {  	_ =	sfence.sel $0x180000  }
0xc2: {  	[bflag:$0x0] =	sbarrier.arrive $0xFFFF  }
0xc3: {  	p0 =	sne.s32 s3, $0x0;
	_ =	strace $0x90000047  }
0xc4: {  	s0 =	sadd.s32 @!p0 $0x100000, s0;
	[bflag:$0x2] =	sbarrier.arrive $0xFFFF  }
0xc5: {  	[sflag:s0] =	ssyncadd.tile.s32 @!p0 $0x1;
	_ =	shalt  }
.Lfunc_end2:
_tile_overlayer_lowered:
.L_overlay_start_2:
0xc6: {  	(tag) =	ssettag $0x2  }
0xc7: {  	s0 =	rddreg [dreg:$0x0];
	s2 =	stileid.u32  }
0xc8: {  	s1 =	rddreg [dreg:$0x1];
	p0 =	sne.s32 s2, $0x0  }
0xc9: {  	s3 =	rddreg [dreg:$0x2];
	[bflag:$0x3] =	sbarrier.arrive $0xFFFF;
	s2 =	simm.s32 @!p0 $0x1C02  }
0xca: {  	[timem:s3], [sflag:s2] =	dma.local @!p0 [hbm:s0], s1  }
0xcb: {  	s0 =	simm.s32 @!p0 $0x2  }
0xcc: {  	_ =	swait.ge @!p0 [sflag:s0], s1  }
0xcd: {  	s1 =	ssub.s32 @!p0 $0x0, s1;
	[sflag:s0] =	ssyncset.done @!p0 $0x0  }
0xce: {  	[sflag:s0] =	ssyncadd.s32 @!p0 s1  }
0xcf: {  	[bflag:$0x3] =	sbarrier.arrive $0xFFFF  }
0xd0: {  	_ =	shalt  }

</sc_bundles>
